<compile_context>
chip_gen: v7x
topology: tpu7x:2x2x1
jax: 0.10.2.dev20260603
libtpu: 0.0.44.dev20260713+nightly
codegen_flags: <defaults>
</compile_context>

<pallas_src>
import functools

import jax
import jax.numpy as jnp
from jax import lax
from jax.experimental import pallas as pl
from jax.experimental.pallas import tpu as pltpu
from jax.experimental.pallas import tpu_sc as plsc



def _retrieval_body(lg_ref, bc_ref, bq_ref, cq_ref, ex_ref, mn_ref, mx_ref, gb_ref,
                    matched_ref, ids_ref, pos_ref):
    b = pl.program_id(0)
    ncls, p = lg_ref.shape[1], lg_ref.shape[2]
    nc, npt = cq_ref.shape[1], ex_ref.shape[2]

    lg = lg_ref[0]
    sem_mask = (jnp.max(lg[: ncls - 1, :], axis=0, keepdims=True)
                >= lg[ncls - 1:, :]).astype(jnp.float32)

    bc = bc_ref[0]
    mn1 = jnp.min(bc, axis=1)
    mx1 = jnp.max(bc, axis=1)
    bq = bq_ref[0]
    mn2 = jnp.min(bq, axis=1)
    mx2 = jnp.max(bq, axis=1)
    inter = v1 = v2 = None
    for d in range(3):
        a1, A1 = mn1[d:d + 1, :], mx1[d:d + 1, :]
        a2, A2 = mn2[:, d:d + 1], mx2[:, d:d + 1]
        ext = jnp.clip(jnp.minimum(A1, A2) - jnp.maximum(a1, a2), 0.0, None)
        e1, e2 = A1 - a1, A2 - a2
        inter = ext if inter is None else inter * ext
        v1 = e1 if v1 is None else v1 * e1
        v2 = e2 if v2 is None else v2 * e2
    iou = inter / (v1 + v2 - inter + 1e-8)
    iou = iou * sem_mask
    mval = jnp.max(iou, axis=1, keepdims=True)
    lane = lax.broadcasted_iota(jnp.int32, iou.shape, 1)
    midx = jnp.min(jnp.where(iou == mval, lane, p), axis=1, keepdims=True)
    matched_ref[0] = midx + b * p

    cq = cq_ref[0]
    q2 = (cq[:, 0:1] * cq[:, 0:1] + cq[:, 1:2] * cq[:, 1:2]) + cq[:, 2:3] * cq[:, 2:3]
    cqb = cq.astype(jnp.bfloat16).astype(jnp.float32)
    T = 2048
    def step(c, carry):
        bv, bi = carry
        ex = ex_ref[0, :, pl.ds(c * T, T)]
        x0, x1, x2 = ex[0:1, :], ex[1:2, :], ex[2:3, :]
        p2 = (x0 * x0 + x1 * x1) + x2 * x2
        xb = ex.astype(jnp.bfloat16).astype(jnp.float32)
        dot = ((cqb[:, 0:1] * xb[0:1, :] + cqb[:, 1:2] * xb[1:2, :])
               + cqb[:, 2:3] * xb[2:3, :])
        d2 = (q2 + p2) - 2.0 * dot
        cmin = jnp.min(d2, axis=1, keepdims=True)
        l2 = lax.broadcasted_iota(jnp.int32, d2.shape, 1) + c * T
        cidx = jnp.min(jnp.where(d2 == cmin, l2, npt), axis=1, keepdims=True)
        upd = cmin < bv
        return jnp.where(upd, cmin, bv), jnp.where(upd, cidx, bi)
    bv0 = jnp.full((nc, 1), jnp.inf, jnp.float32)
    bi0 = jnp.zeros((nc, 1), jnp.int32)
    bv, bi = lax.fori_loop(0, npt // T, step, (bv0, bi0))
    ids_ref[0] = bi + b * npt

    mnv, mxv = mn_ref[0], mx_ref[0]
    xn = (cq - mnv) / ((mxv - mnv) + 1e-8)
    xnb = xn.astype(jnp.bfloat16).astype(jnp.float32)
    gb = gb_ref[...].astype(jnp.bfloat16).astype(jnp.float32)
    proj = 2.0 * jnp.pi * ((xnb[:, 0:1] * gb[0:1, :] + xnb[:, 1:2] * gb[1:2, :])
                           + xnb[:, 2:3] * gb[2:3, :])
    pos_ref[0] = jnp.concatenate([jnp.sin(proj), jnp.cos(proj)], axis=-1)


def _retrieval_call(lg_t, bc_t, box_query, click_query, ex_t, mn3, mx3, gauss_B):
    B, NCLS, P = lg_t.shape
    NQ = box_query.shape[1]
    NC, NPT = click_query.shape[1], ex_t.shape[2]
    EH2 = gauss_B.shape[1]
    return pl.pallas_call(
        _retrieval_body,
        grid=(B,),
        in_specs=[
            pl.BlockSpec((1, NCLS, P), lambda b: (b, 0, 0)),
            pl.BlockSpec((1, 3, 8, P), lambda b: (b, 0, 0, 0)),
            pl.BlockSpec((1, NQ, 8, 3), lambda b: (b, 0, 0, 0)),
            pl.BlockSpec((1, NC, 3), lambda b: (b, 0, 0)),
            pl.BlockSpec((1, 3, NPT), lambda b: (b, 0, 0)),
            pl.BlockSpec((1, 1, 3), lambda b: (b, 0, 0)),
            pl.BlockSpec((1, 1, 3), lambda b: (b, 0, 0)),
            pl.BlockSpec((3, EH2), lambda b: (0, 0)),
        ],
        out_specs=[
            pl.BlockSpec((1, NQ, 1), lambda b: (b, 0, 0)),
            pl.BlockSpec((1, NC, 1), lambda b: (b, 0, 0)),
            pl.BlockSpec((1, NC, 2 * EH2), lambda b: (b, 0, 0)),
        ],
        out_shape=[
            jax.ShapeDtypeStruct((B, NQ, 1), jnp.int32),
            jax.ShapeDtypeStruct((B, NC, 1), jnp.int32),
            jax.ShapeDtypeStruct((B, NC, 2 * EH2), jnp.float32),
        ],
    )(lg_t, bc_t, box_query, click_query, ex_t, mn3, mx3, gauss_B)



def _sc_gather(feat_flat, enc_flat, midx, eidx):
    n_box = midx.shape[0]
    n_click = eidx.shape[0]
    EH = feat_flat.shape[1]
    info = plsc.get_sparse_core_info()
    NW = info.num_cores * info.num_subcores
    rb = n_box // NW
    rc = n_click // NW
    mesh = plsc.VectorSubcoreMesh(core_axis_name="c", subcore_axis_name="s")

    @functools.partial(
        pl.kernel, mesh=mesh,
        out_type=jax.ShapeDtypeStruct((n_box + n_click, EH), jnp.float32),
        scratch_types=[
            pltpu.VMEM((rb,), jnp.int32),
            pltpu.VMEM((rb, EH), jnp.float32),
            pltpu.VMEM((rc,), jnp.int32),
            pltpu.VMEM((rc, EH), jnp.float32),
            pltpu.SemaphoreType.DMA,
            pltpu.SemaphoreType.DMA,
        ],
    )
    def gather_k(feat_hbm, enc_hbm, midx_hbm, eidx_hbm, out_hbm,
                 idx_b, rows_b, idx_c, rows_c, sem_b, sem_c):
        wid = lax.axis_index("s") * info.num_cores + lax.axis_index("c")
        base_b = wid * rb
        base_c = wid * rc
        pltpu.sync_copy(midx_hbm.at[pl.ds(base_b, rb)], idx_b)
        pltpu.sync_copy(eidx_hbm.at[pl.ds(base_c, rc)], idx_c)
        cp_b = pltpu.async_copy(feat_hbm.at[idx_b], rows_b, sem_b)
        cp_c = pltpu.async_copy(enc_hbm.at[idx_c], rows_c, sem_c)
        cp_b.wait()
        cp_c.wait()
        pltpu.sync_copy(rows_b, out_hbm.at[pl.ds(base_b, rb)])
        pltpu.sync_copy(rows_c, out_hbm.at[pl.ds(n_box + base_c, rc)])

    return gather_k(feat_flat, enc_flat, midx, eidx)



def _mlp_body(x_ref, w1_ref, b1_ref, w2_ref, b2_ref, o_ref, h_ref):
    @pl.when(pl.program_id(1) == 0)
    def _():
        h = jnp.dot(x_ref[0], w1_ref[0], preferred_element_type=jnp.float32)
        h_ref[...] = jnp.maximum(h + b1_ref[0], 0.0)
    hb = h_ref[...].astype(jnp.bfloat16)
    o = jnp.dot(hb, w2_ref[0], preferred_element_type=jnp.float32) + b2_ref[0]
    o_ref[...] = o.reshape(o_ref.shape)


def _mlp_call(Xs, W1s, b1s, W2s, b2s, B, NQ):
    M, K = Xs.shape[1], Xs.shape[2]
    QH = W1s.shape[2]
    NOUT = W2s.shape[2]
    TN = 768
    NT = NOUT // TN
    return pl.pallas_call(
        _mlp_body,
        grid=(2, NT),
        in_specs=[
            pl.BlockSpec((1, M, K), lambda i, n: (i, 0, 0)),
            pl.BlockSpec((1, K, QH), lambda i, n: (i, 0, 0)),
            pl.BlockSpec((1, 1, QH), lambda i, n: (i, 0, 0)),
            pl.BlockSpec((1, QH, TN), lambda i, n: (i, 0, n)),
            pl.BlockSpec((1, 1, TN), lambda i, n: (i, 0, n)),
        ],
        out_specs=pl.BlockSpec((B, 1, NQ, TN), lambda i, n: (0, i, 0, n)),
        out_shape=jax.ShapeDtypeStruct((B, 2, NQ, NOUT), jnp.float32),
        scratch_shapes=[pltpu.VMEM((M, QH), jnp.float32)],
        compiler_params=pltpu.CompilerParams(
            dimension_semantics=("arbitrary", "arbitrary")),
    )(Xs, W1s, b1s, W2s, b2s)



def kernel(sem_cls_logits, prop_features, box_corners, enc_xyz, enc_features,
           pc_dims_min, pc_dims_max, box_query, box_qmask, click_query, click_qmask,
           w1_box, b1_box, w2_box, b2_box, w1_click, b1_click, w2_click, b2_click,
           gauss_B):
    B, P, NCLS = sem_cls_logits.shape
    NQ = box_query.shape[1]
    NC, NPT = click_query.shape[1], enc_xyz.shape[1]
    EH = enc_features.shape[2]
    QH = w1_box.shape[1]
    VQ = w2_box.shape[1] // QH

    lg_t = sem_cls_logits.transpose(0, 2, 1)
    bc_t = box_corners.transpose(0, 3, 2, 1)
    ex_t = enc_xyz.transpose(0, 2, 1)
    mn3 = pc_dims_min.reshape(B, 1, 3)
    mx3 = pc_dims_max.reshape(B, 1, 3)

    matched, ids, pos = _retrieval_call(lg_t, bc_t, box_query, click_query,
                                        ex_t, mn3, mx3, gauss_B)

    feat_flat = prop_features[-1].reshape(B * P, EH)
    enc_flat = enc_features.reshape(B * NPT, EH)
    gathered = _sc_gather(feat_flat, enc_flat,
                          matched.reshape(B * NQ), ids.reshape(B * NC))

    box_feat = gathered[:B * NQ]
    k_fea = gathered[B * NQ:]
    pos_f = pos.reshape(B * NC, EH)
    Xs = jnp.stack([
        jnp.concatenate([box_feat, jnp.zeros_like(box_feat)], axis=-1),
        jnp.concatenate([k_fea, pos_f], axis=-1),
    ]).astype(jnp.bfloat16)
    W1s = jnp.stack([
        jnp.concatenate([w1_box, jnp.zeros_like(w1_box)], axis=0),
        w1_click,
    ]).astype(jnp.bfloat16)
    b1s = jnp.stack([b1_box, b1_click]).reshape(2, 1, QH)
    W2s = jnp.stack([w2_box, w2_click]).astype(jnp.bfloat16)
    b2s = jnp.stack([b2_box, b2_click]).reshape(2, 1, VQ * QH)

    out = _mlp_call(Xs, W1s, b1s, W2s, b2s, B, NQ)
    prompt_feature = out.reshape(B, 2 * NQ * VQ, QH)

    box_mask = jnp.repeat(box_qmask[:, :, None], VQ, axis=2).reshape(B, NQ * VQ)
    click_mask = jnp.repeat(click_qmask[:, :, None], VQ, axis=2).reshape(B, NC * VQ)
    prompt_mask = jnp.concatenate([box_mask, click_mask], axis=1)
    return prompt_feature, prompt_mask

# --- scband reference (transcript-rebuilt; emitter-appended) ---
"""Pipeline reference for scband-prompt-encoder-4191888081146 (READ-ONLY COPY).

The authoritative reference and input builder live on the scoring server;
editing this copy changes nothing except your own understanding.
"""

import jax, jax.numpy as jnp
import numpy as np

B=8; P=512; NPT=16384; NQ=128; NC=128; EH=256; QH=768; VQ=8; NCLS=129; NL=4


def setup_inputs(seed: int = 0) -> dict:
    key = jax.random.key(seed)
    ks = jax.random.split(key, 16)
    inp = {}
    inp['sem_cls_logits'] = jax.random.normal(ks[0], (B, P, NCLS), dtype=jnp.float32)
    inp['prop_features'] = jax.random.normal(ks[1], (NL, B, P, EH), dtype=jnp.float32) * 0.1
    inp['box_corners'] = jax.random.uniform(ks[2], (B, P, 8, 3), dtype=jnp.float32)
    inp['enc_xyz'] = jax.random.uniform(ks[3], (B, NPT, 3), dtype=jnp.float32)
    inp['enc_features'] = jax.random.normal(ks[4], (B, NPT, EH), dtype=jnp.float32) * 0.1
    inp['pc_dims_min'] = jnp.zeros((B, 3), dtype=jnp.float32)
    inp['pc_dims_max'] = jnp.ones((B, 3), dtype=jnp.float32)
    inp['box_query'] = jax.random.uniform(ks[5], (B, NQ, 8, 3), dtype=jnp.float32)
    inp['box_qmask'] = jnp.ones((B, NQ), dtype=jnp.float32)
    inp['click_query'] = jax.random.uniform(ks[6], (B, NC, 3), dtype=jnp.float32)
    inp['click_qmask'] = jnp.ones((B, NC), dtype=jnp.float32)
    s1 = 1.0 / np.sqrt(EH); s2 = 1.0 / np.sqrt(QH); s3 = 1.0 / np.sqrt(2 * EH)
    inp['w1_box'] = jax.random.uniform(ks[7], (EH, QH), minval=-s1, maxval=s1, dtype=jnp.float32)
    inp['b1_box'] = jnp.zeros((QH,), dtype=jnp.float32)
    inp['w2_box'] = jax.random.uniform(ks[8], (QH, VQ * QH), minval=-s2, maxval=s2, dtype=jnp.float32)
    inp['b2_box'] = jnp.zeros((VQ * QH,), dtype=jnp.float32)
    inp['w1_click'] = jax.random.uniform(ks[9], (2 * EH, QH), minval=-s3, maxval=s3, dtype=jnp.float32)
    inp['b1_click'] = jnp.zeros((QH,), dtype=jnp.float32)
    inp['w2_click'] = jax.random.uniform(ks[10], (QH, VQ * QH), minval=-s2, maxval=s2, dtype=jnp.float32)
    inp['b2_click'] = jnp.zeros((VQ * QH,), dtype=jnp.float32)
    inp['gauss_B'] = jax.random.normal(ks[11], (3, EH // 2), dtype=jnp.float32)
    return inp


def _aabb_iou(c1, c2):
    mn1 = c1.min(axis=1); mx1 = c1.max(axis=1)
    mn2 = c2.min(axis=1); mx2 = c2.max(axis=1)
    inter = jnp.prod(jnp.clip(jnp.minimum(mx1, mx2) - jnp.maximum(mn1, mn2), 0.0, None), axis=-1)
    v1 = jnp.prod(mx1 - mn1, axis=-1)
    v2 = jnp.prod(mx2 - mn2, axis=-1)
    return inter / (v1 + v2 - inter + 1e-8)


def _forward(sem_cls_logits, prop_features, box_corners, enc_xyz, enc_features,
             pc_dims_min, pc_dims_max, box_query, box_qmask, click_query, click_qmask,
             w1_box, b1_box, w2_box, b2_box, w1_click, b1_click, w2_click, b2_click, gauss_B):
    prop_sem_mask = (jnp.argmax(sem_cls_logits, -1) != sem_cls_logits.shape[-1] - 1).astype(jnp.float32)
    # --- box branch: pairwise 3D IoU matching (argmax retrieval) + gather ---
    pc = jnp.broadcast_to(box_corners[:, None], (B, NQ, P, 8, 3)).reshape(-1, 8, 3)
    qc = jnp.broadcast_to(box_query[:, :, None], (B, NQ, P, 8, 3)).reshape(-1, 8, 3)
    iou = _aabb_iou(pc, qc).reshape(B, NQ, P)
    iou = iou * prop_sem_mask[:, None, :]
    matched = jnp.argmax(iou, -1)
    feat = prop_features[-1]
    box_feat = jnp.take_along_axis(feat, matched[:, :, None], axis=1)
    h = jnp.maximum(box_feat @ w1_box + b1_box, 0.0)
    box_prompt = (h @ w2_box + b2_box).reshape(B, NQ * VQ, QH)
    box_mask = jnp.repeat(box_qmask[:, :, None], VQ, axis=2).reshape(B, NQ * VQ)
    # --- click branch: fourier pos emb + kNN enhance (argmin retrieval) + gather ---
    rng = pc_dims_max - pc_dims_min
    xyz_norm = (click_query - pc_dims_min[:, None, :]) / (rng[:, None, :] + 1e-8)
    proj = 2.0 * jnp.pi * (xyz_norm @ gauss_B)
    pos = jnp.concatenate([jnp.sin(proj), jnp.cos(proj)], axis=-1).transpose(0, 2, 1)  # [B, EH, NC]
    d2 = (jnp.sum(click_query ** 2, -1)[:, :, None] + jnp.sum(enc_xyz ** 2, -1)[:, None, :]
          - 2.0 * jnp.einsum('bqd,bnd->bqn', click_query, enc_xyz))
    ids = jnp.argmin(d2, -1)
    k_fea = jnp.take_along_axis(enc_features, ids[:, :, None], axis=1)  # [B, NC, EH]
    click_in = jnp.concatenate([k_fea.transpose(0, 2, 1), pos], axis=1).transpose(0, 2, 1)  # [B, NC, 2*EH]
    h2 = jnp.maximum(click_in @ w1_click + b1_click, 0.0)
    click_prompt = (h2 @ w2_click + b2_click).reshape(B, NC * VQ, QH)
    click_mask = jnp.repeat(click_qmask[:, :, None], VQ, axis=2).reshape(B, NC * VQ)
    prompt_feature = jnp.concatenate([box_prompt, click_prompt], axis=1)
    prompt_mask = jnp.concatenate([box_mask, click_mask], axis=1)
    return prompt_feature, prompt_mask


def reference(sem_cls_logits, prop_features, box_corners, enc_xyz, enc_features,
              pc_dims_min, pc_dims_max, box_query, box_qmask, click_query, click_qmask,
              w1_box, b1_box, w2_box, b2_box, w1_click, b1_click, w2_click, b2_click, gauss_B):
    return _forward(sem_cls_logits, prop_features, box_corners, enc_xyz, enc_features,
                    pc_dims_min, pc_dims_max, box_query, box_qmask, click_query, click_qmask,
                    w1_box, b1_box, w2_box, b2_box, w1_click, b1_click, w2_click, b2_click, gauss_B)

if __name__ == "__main__":
    import jax
    _d = setup_inputs()
    print(jax.jit(kernel)(*tuple(_d.values())))

</pallas_src>

<mosaic_0001>
#map = affine_map<(d0, d1) -> (0, 0)>
#map1 = affine_map<(d0, d1) -> (0)>
module attributes {stable_mosaic.version = 14 : i64} {
  func.func @gather_k(%arg0: i32, %arg1: i32, %arg2: memref<4096x256xf32, #tpu.memory_space<hbm>>, %arg3: memref<131072x256xf32, #tpu.memory_space<hbm>>, %arg4: memref<1024xi32, #tpu.memory_space<hbm>>, %arg5: memref<1024xi32, #tpu.memory_space<hbm>>, %arg6: memref<2048x256xf32, #tpu.memory_space<hbm>>, %arg7: memref<32xi32, #tpu.memory_space<vmem>>, %arg8: memref<32x256xf32, #tpu.memory_space<vmem>>, %arg9: memref<32xi32, #tpu.memory_space<vmem>>, %arg10: memref<32x256xf32, #tpu.memory_space<vmem>>, %arg11: memref<!tpu.dma_semaphore, #tpu.memory_space<semaphore_mem>>, %arg12: memref<!tpu.dma_semaphore, #tpu.memory_space<semaphore_mem>>) attributes {dimension_semantics = [#tpu.dimension_semantics<core_parallel>, #tpu.dimension_semantics<subcore_parallel>], iteration_bounds = array<i64: 2, 16>, scalar_prefetch = 0 : i64, scratch_operands = 6 : i64, tpu.core_type = #tpu.core_type<sc_vector_subcore>, window_params = [{transform_indices = #map}, {transform_indices = #map}, {transform_indices = #map1}, {transform_indices = #map1}, {transform_indices = #map}]} {
    %mul3A = arith.constant 2 : i32
    %mul3A_0 = arith.muli %arg1, %mul3A : i32
    %add3A = arith.addi %mul3A_0, %arg0 : i32
    %mul3A_1 = arith.constant 32 : i32
    %mul3A_2 = arith.muli %add3A, %mul3A_1 : i32
    %mul3A_3 = arith.constant 32 : i32
    %mul3A_4 = arith.muli %add3A, %mul3A_3 : i32
    "tpu.region"() ({
      %run_scoped3A = tpu.sem_alloc : memref<!tpu.dma_semaphore, #tpu.memory_space<semaphore_mem>>
      %dma_start3A_17 = tpu.memref_slice %arg4[%mul3A_2] : memref<1024xi32, #tpu.memory_space<hbm>> -> memref<32xi32, #tpu.memory_space<hbm>>
      %dma_start3A_18 = tpu.memref_slice %arg4[%mul3A_2] : memref<1024xi32, #tpu.memory_space<hbm>> -> memref<32xi32, #tpu.memory_space<hbm>>
      tpu.enqueue_dma source(%dma_start3A_18 : memref<32xi32, #tpu.memory_space<hbm>>) target(%arg7 : memref<32xi32, #tpu.memory_space<vmem>>) target_semaphore(%run_scoped3A : memref<!tpu.dma_semaphore, #tpu.memory_space<semaphore_mem>>)
      %dma_wait3A_19 = tpu.memref_slice %arg4[%mul3A_2] : memref<1024xi32, #tpu.memory_space<hbm>> -> memref<32xi32, #tpu.memory_space<hbm>>
      %dma_wait3A_20 = tpu.memref_slice %arg4[%mul3A_2] : memref<1024xi32, #tpu.memory_space<hbm>> -> memref<32xi32, #tpu.memory_space<hbm>>
      tpu.wait_dma2 semaphore(%run_scoped3A : memref<!tpu.dma_semaphore, #tpu.memory_space<semaphore_mem>>) src(%dma_wait3A_20 : memref<32xi32, #tpu.memory_space<hbm>>) dst(%arg7 : memref<32xi32, #tpu.memory_space<vmem>>)
      tpu.yield
    }) : () -> ()
    "tpu.region"() ({
      %run_scoped3A = tpu.sem_alloc : memref<!tpu.dma_semaphore, #tpu.memory_space<semaphore_mem>>
      %dma_start3A_17 = tpu.memref_slice %arg5[%mul3A_4] : memref<1024xi32, #tpu.memory_space<hbm>> -> memref<32xi32, #tpu.memory_space<hbm>>
      %dma_start3A_18 = tpu.memref_slice %arg5[%mul3A_4] : memref<1024xi32, #tpu.memory_space<hbm>> -> memref<32xi32, #tpu.memory_space<hbm>>
      tpu.enqueue_dma source(%dma_start3A_18 : memref<32xi32, #tpu.memory_space<hbm>>) target(%arg9 : memref<32xi32, #tpu.memory_space<vmem>>) target_semaphore(%run_scoped3A : memref<!tpu.dma_semaphore, #tpu.memory_space<semaphore_mem>>)
      %dma_wait3A_19 = tpu.memref_slice %arg5[%mul3A_4] : memref<1024xi32, #tpu.memory_space<hbm>> -> memref<32xi32, #tpu.memory_space<hbm>>
      %dma_wait3A_20 = tpu.memref_slice %arg5[%mul3A_4] : memref<1024xi32, #tpu.memory_space<hbm>> -> memref<32xi32, #tpu.memory_space<hbm>>
      tpu.wait_dma2 semaphore(%run_scoped3A : memref<!tpu.dma_semaphore, #tpu.memory_space<semaphore_mem>>) src(%dma_wait3A_20 : memref<32xi32, #tpu.memory_space<hbm>>) dst(%arg9 : memref<32xi32, #tpu.memory_space<vmem>>)
      tpu.yield
    }) : () -> ()
    %dma_start3A = arith.constant 0 : i32
    %dma_start3A_5 = arith.constant 0 : i32
    %dma_start3A_6 = tpu.memref_slice %arg2[%dma_start3A, %dma_start3A_5] : memref<4096x256xf32, #tpu.memory_space<hbm>> -> memref<4096x256xf32, #tpu.memory_space<hbm>>
    tpu.enqueue_indirect_dma source(%dma_start3A_6 : memref<4096x256xf32, #tpu.memory_space<hbm>>) target(%arg8 : memref<32x256xf32, #tpu.memory_space<vmem>>) offsets(%arg7 : memref<32xi32, #tpu.memory_space<vmem>>) semaphore(%arg11 : memref<!tpu.dma_semaphore, #tpu.memory_space<semaphore_mem>>)
    %dma_start3A_7 = arith.constant 0 : i32
    %dma_start3A_8 = arith.constant 0 : i32
    %dma_start3A_9 = tpu.memref_slice %arg3[%dma_start3A_7, %dma_start3A_8] : memref<131072x256xf32, #tpu.memory_space<hbm>> -> memref<131072x256xf32, #tpu.memory_space<hbm>>
    tpu.enqueue_indirect_dma source(%dma_start3A_9 : memref<131072x256xf32, #tpu.memory_space<hbm>>) target(%arg10 : memref<32x256xf32, #tpu.memory_space<vmem>>) offsets(%arg9 : memref<32xi32, #tpu.memory_space<vmem>>) semaphore(%arg12 : memref<!tpu.dma_semaphore, #tpu.memory_space<semaphore_mem>>)
    %dma_wait3A = arith.constant 0 : i32
    %dma_wait3A_10 = arith.constant 0 : i32
    %dma_wait3A_11 = tpu.memref_slice %arg2[%dma_wait3A, %dma_wait3A_10] : memref<4096x256xf32, #tpu.memory_space<hbm>> -> memref<4096x256xf32, #tpu.memory_space<hbm>>
    tpu.wait_indirect_dma semaphore(%arg11 : memref<!tpu.dma_semaphore, #tpu.memory_space<semaphore_mem>>) src(%dma_wait3A_11 : memref<4096x256xf32, #tpu.memory_space<hbm>>) dst(%arg8 : memref<32x256xf32, #tpu.memory_space<vmem>>)
    %dma_wait3A_12 = arith.constant 0 : i32
    %dma_wait3A_13 = arith.constant 0 : i32
    %dma_wait3A_14 = tpu.memref_slice %arg3[%dma_wait3A_12, %dma_wait3A_13] : memref<131072x256xf32, #tpu.memory_space<hbm>> -> memref<131072x256xf32, #tpu.memory_space<hbm>>
    tpu.wait_indirect_dma semaphore(%arg12 : memref<!tpu.dma_semaphore, #tpu.memory_space<semaphore_mem>>) src(%dma_wait3A_14 : memref<131072x256xf32, #tpu.memory_space<hbm>>) dst(%arg10 : memref<32x256xf32, #tpu.memory_space<vmem>>)
    "tpu.region"() ({
      %run_scoped3A = tpu.sem_alloc : memref<!tpu.dma_semaphore, #tpu.memory_space<semaphore_mem>>
      %dma_start3A_17 = arith.constant 0 : i32
      %dma_start3A_18 = tpu.memref_slice %arg6[%mul3A_2, %dma_start3A_17] : memref<2048x256xf32, #tpu.memory_space<hbm>> -> memref<32x256xf32, #tpu.memory_space<hbm>>
      %dma_start3A_19 = arith.constant 0 : i32
      %dma_start3A_20 = tpu.memref_slice %arg6[%mul3A_2, %dma_start3A_19] : memref<2048x256xf32, #tpu.memory_space<hbm>> -> memref<32x256xf32, #tpu.memory_space<hbm>>
      tpu.enqueue_dma source(%arg8 : memref<32x256xf32, #tpu.memory_space<vmem>>) target(%dma_start3A_20 : memref<32x256xf32, #tpu.memory_space<hbm>>) target_semaphore(%run_scoped3A : memref<!tpu.dma_semaphore, #tpu.memory_space<semaphore_mem>>)
      %dma_wait3A_21 = arith.constant 0 : i32
      %dma_wait3A_22 = tpu.memref_slice %arg6[%mul3A_2, %dma_wait3A_21] : memref<2048x256xf32, #tpu.memory_space<hbm>> -> memref<32x256xf32, #tpu.memory_space<hbm>>
      %dma_wait3A_23 = arith.constant 0 : i32
      %dma_wait3A_24 = tpu.memref_slice %arg6[%mul3A_2, %dma_wait3A_23] : memref<2048x256xf32, #tpu.memory_space<hbm>> -> memref<32x256xf32, #tpu.memory_space<hbm>>
      tpu.wait_dma2 semaphore(%run_scoped3A : memref<!tpu.dma_semaphore, #tpu.memory_space<semaphore_mem>>) src(%arg8 : memref<32x256xf32, #tpu.memory_space<vmem>>) dst(%dma_wait3A_24 : memref<32x256xf32, #tpu.memory_space<hbm>>)
      tpu.yield
    }) : () -> ()
    %add3A_15 = arith.constant 1024 : i32
    %add3A_16 = arith.addi %add3A_15, %mul3A_4 : i32
    "tpu.region"() ({
      %run_scoped3A = tpu.sem_alloc : memref<!tpu.dma_semaphore, #tpu.memory_space<semaphore_mem>>
      %dma_start3A_17 = arith.constant 0 : i32
      %dma_start3A_18 = tpu.memref_slice %arg6[%add3A_16, %dma_start3A_17] : memref<2048x256xf32, #tpu.memory_space<hbm>> -> memref<32x256xf32, #tpu.memory_space<hbm>>
      %dma_start3A_19 = arith.constant 0 : i32
      %dma_start3A_20 = tpu.memref_slice %arg6[%add3A_16, %dma_start3A_19] : memref<2048x256xf32, #tpu.memory_space<hbm>> -> memref<32x256xf32, #tpu.memory_space<hbm>>
      tpu.enqueue_dma source(%arg10 : memref<32x256xf32, #tpu.memory_space<vmem>>) target(%dma_start3A_20 : memref<32x256xf32, #tpu.memory_space<hbm>>) target_semaphore(%run_scoped3A : memref<!tpu.dma_semaphore, #tpu.memory_space<semaphore_mem>>)
      %dma_wait3A_21 = arith.constant 0 : i32
      %dma_wait3A_22 = tpu.memref_slice %arg6[%add3A_16, %dma_wait3A_21] : memref<2048x256xf32, #tpu.memory_space<hbm>> -> memref<32x256xf32, #tpu.memory_space<hbm>>
      %dma_wait3A_23 = arith.constant 0 : i32
      %dma_wait3A_24 = tpu.memref_slice %arg6[%add3A_16, %dma_wait3A_23] : memref<2048x256xf32, #tpu.memory_space<hbm>> -> memref<32x256xf32, #tpu.memory_space<hbm>>
      tpu.wait_dma2 semaphore(%run_scoped3A : memref<!tpu.dma_semaphore, #tpu.memory_space<semaphore_mem>>) src(%arg10 : memref<32x256xf32, #tpu.memory_space<vmem>>) dst(%dma_wait3A_24 : memref<32x256xf32, #tpu.memory_space<hbm>>)
      tpu.yield
    }) : () -> ()
    return
  }
}

module attributes {stable_mosaic.version = 14 : i64} {
  func.func @_retrieval_body(%arg0: i32, %arg1: memref<1x129x512xf32, #tpu.memory_space<vmem>>, %arg2: memref<1x3x8x512xf32, #tpu.memory_space<vmem>>, %arg3: memref<1x128x8x3xf32, #tpu.memory_space<vmem>>, %arg4: memref<1x128x3xf32, #tpu.memory_space<vmem>>, %arg5: memref<1x3x16384xf32, #tpu.memory_space<vmem>>, %arg6: memref<1x1x3xf32, #tpu.memory_space<vmem>>, %arg7: memref<1x1x3xf32, #tpu.memory_space<vmem>>, %arg8: memref<3x128xf32, #tpu.memory_space<vmem>>, %arg9: memref<1x128x1xi32, #tpu.memory_space<vmem>>, %arg10: memref<1x128x1xi32, #tpu.memory_space<vmem>>, %arg11: memref<1x128x256xf32, #tpu.memory_space<vmem>>) attributes {dimension_semantics = [#tpu.dimension_semantics<arbitrary>], iteration_bounds = array<i64: 8>, scalar_prefetch = 0 : i64, scratch_operands = 0 : i64, tpu.core_type = #tpu.core_type<tc>, window_params = [{transform_indices = @transform_0, window_bounds = array<i64: 1, 129, 512>}, {transform_indices = @transform_1, window_bounds = array<i64: 1, 3, 8, 512>}, {transform_indices = @transform_2, window_bounds = array<i64: 1, 128, 8, 3>}, {transform_indices = @transform_3, window_bounds = array<i64: 1, 128, 3>}, {transform_indices = @transform_4, window_bounds = array<i64: 1, 3, 16384>}, {transform_indices = @transform_5, window_bounds = array<i64: 1, 1, 3>}, {transform_indices = @transform_6, window_bounds = array<i64: 1, 1, 3>}, {pipeline_mode = #tpu.pipeline_mode<synchronous>, transform_indices = @transform_7, window_bounds = array<i64: 3, 128>}, {transform_indices = @transform_8, window_bounds = array<i64: 1, 128, 1>}, {transform_indices = @transform_9, window_bounds = array<i64: 1, 128, 1>}, {transform_indices = @transform_10, window_bounds = array<i64: 1, 128, 256>}]} {
    %get3A = arith.constant 0 : index
    %get3A_0 = arith.constant 0 : index
    %get3A_1 = arith.constant 0 : index
    %get3A_2 = vector.load %arg1[%get3A, %get3A_0, %get3A_1] : memref<1x129x512xf32, #tpu.memory_space<vmem>>, vector<1x129x512xf32>
    %get3A_3 = vector.shape_cast %get3A_2 : vector<1x129x512xf32> to vector<129x512xf32>
    %slice3A = vector.extract_strided_slice %get3A_3 {offsets = [0, 0], sizes = [128, 512], strides = [1, 1]} : vector<129x512xf32> to vector<128x512xf32>
    %reduce_max3A = arith.constant dense<0xFF800000> : vector<512xf32>
    %reduce_max3A_4 = vector.multi_reduction <maximumf>, %slice3A, %reduce_max3A [0] : vector<128x512xf32> to vector<512xf32>
    %broadcast_in_dim3A = vector.shape_cast %reduce_max3A_4 : vector<512xf32> to vector<1x512xf32>
    %slice3A_5 = vector.extract_strided_slice %get3A_3 {offsets = [128, 0], sizes = [1, 512], strides = [1, 1]} : vector<129x512xf32> to vector<1x512xf32>
    %ge3A = arith.cmpf oge, %broadcast_in_dim3A, %slice3A_5 : vector<1x512xf32>
    %convert_element_type3A = arith.extui %ge3A : vector<1x512xi1> to vector<1x512xi32>
    %convert_element_type3A_6 = arith.sitofp %convert_element_type3A : vector<1x512xi32> to vector<1x512xf32>
    %get3A_7 = arith.constant 0 : index
    %get3A_8 = arith.constant 0 : index
    %get3A_9 = arith.constant 0 : index
    %get3A_10 = arith.constant 0 : index
    %get3A_11 = vector.load %arg2[%get3A_7, %get3A_8, %get3A_9, %get3A_10] : memref<1x3x8x512xf32, #tpu.memory_space<vmem>>, vector<1x3x8x512xf32>
    %get3A_12 = vector.shape_cast %get3A_11 : vector<1x3x8x512xf32> to vector<3x8x512xf32>
    %reduce_min3A = arith.constant dense<0x7F800000> : vector<3x512xf32>
    %reduce_min3A_13 = vector.multi_reduction <minimumf>, %get3A_12, %reduce_min3A [1] : vector<3x8x512xf32> to vector<3x512xf32>
    %reduce_max3A_14 = arith.constant dense<0xFF800000> : vector<3x512xf32>
    %reduce_max3A_15 = vector.multi_reduction <maximumf>, %get3A_12, %reduce_max3A_14 [1] : vector<3x8x512xf32> to vector<3x512xf32>
    %get3A_16 = arith.constant 0 : index
    %get3A_17 = arith.constant 0 : index
    %get3A_18 = arith.constant 0 : index
    %get3A_19 = arith.constant 0 : index
    %get3A_20 = vector.load %arg3[%get3A_16, %get3A_17, %get3A_18, %get3A_19] : memref<1x128x8x3xf32, #tpu.memory_space<vmem>>, vector<1x128x8x3xf32>
    %get3A_21 = vector.shape_cast %get3A_20 : vector<1x128x8x3xf32> to vector<128x8x3xf32>
    %reduce_min3A_22 = arith.constant dense<0x7F800000> : vector<128x3xf32>
    %reduce_min3A_23 = vector.multi_reduction <minimumf>, %get3A_21, %reduce_min3A_22 [1] : vector<128x8x3xf32> to vector<128x3xf32>
    %reduce_max3A_24 = arith.constant dense<0xFF800000> : vector<128x3xf32>
    %reduce_max3A_25 = vector.multi_reduction <maximumf>, %get3A_21, %reduce_max3A_24 [1] : vector<128x8x3xf32> to vector<128x3xf32>
    %slice3A_26 = vector.extract_strided_slice %reduce_min3A_13 {offsets = [0, 0], sizes = [1, 512], strides = [1, 1]} : vector<3x512xf32> to vector<1x512xf32>
    %slice3A_27 = vector.extract_strided_slice %reduce_max3A_15 {offsets = [0, 0], sizes = [1, 512], strides = [1, 1]} : vector<3x512xf32> to vector<1x512xf32>
    %slice3A_28 = vector.extract_strided_slice %reduce_min3A_23 {offsets = [0, 0], sizes = [128, 1], strides = [1, 1]} : vector<128x3xf32> to vector<128x1xf32>
    %slice3A_29 = vector.extract_strided_slice %reduce_max3A_25 {offsets = [0, 0], sizes = [128, 1], strides = [1, 1]} : vector<128x3xf32> to vector<128x1xf32>
    %min3A = vector.broadcast %slice3A_27 : vector<1x512xf32> to vector<128x512xf32>
    %min3A_30 = vector.broadcast %slice3A_29 : vector<128x1xf32> to vector<128x512xf32>
    %min3A_31 = arith.minimumf %min3A, %min3A_30 : vector<128x512xf32>
    %max3A = vector.broadcast %slice3A_26 : vector<1x512xf32> to vector<128x512xf32>
    %max3A_32 = vector.broadcast %slice3A_28 : vector<128x1xf32> to vector<128x512xf32>
    %max3A_33 = arith.maximumf %max3A, %max3A_32 : vector<128x512xf32>
    %sub3A = arith.subf %min3A_31, %max3A_33 : vector<128x512xf32>
    %jit3A = arith.constant 0.000000e+00 : f32
    %max3A_34 = vector.broadcast %jit3A : f32 to vector<128x512xf32>
    %max3A_35 = arith.maximumf %max3A_34, %sub3A : vector<128x512xf32>
    %sub3A_36 = arith.subf %slice3A_27, %slice3A_26 : vector<1x512xf32>
    %sub3A_37 = arith.subf %slice3A_29, %slice3A_28 : vector<128x1xf32>
    %slice3A_38 = vector.extract_strided_slice %reduce_min3A_13 {offsets = [1, 0], sizes = [1, 512], strides = [1, 1]} : vector<3x512xf32> to vector<1x512xf32>
    %slice3A_39 = vector.extract_strided_slice %reduce_max3A_15 {offsets = [1, 0], sizes = [1, 512], strides = [1, 1]} : vector<3x512xf32> to vector<1x512xf32>
    %slice3A_40 = vector.extract_strided_slice %reduce_min3A_23 {offsets = [0, 1], sizes = [128, 1], strides = [1, 1]} : vector<128x3xf32> to vector<128x1xf32>
    %slice3A_41 = vector.extract_strided_slice %reduce_max3A_25 {offsets = [0, 1], sizes = [128, 1], strides = [1, 1]} : vector<128x3xf32> to vector<128x1xf32>
    %min3A_42 = vector.broadcast %slice3A_39 : vector<1x512xf32> to vector<128x512xf32>
    %min3A_43 = vector.broadcast %slice3A_41 : vector<128x1xf32> to vector<128x512xf32>
    %min3A_44 = arith.minimumf %min3A_42, %min3A_43 : vector<128x512xf32>
    %max3A_45 = vector.broadcast %slice3A_38 : vector<1x512xf32> to vector<128x512xf32>
    %max3A_46 = vector.broadcast %slice3A_40 : vector<128x1xf32> to vector<128x512xf32>
    %max3A_47 = arith.maximumf %max3A_45, %max3A_46 : vector<128x512xf32>
    %sub3A_48 = arith.subf %min3A_44, %max3A_47 : vector<128x512xf32>
    %jit3A_49 = arith.constant 0.000000e+00 : f32
    %max3A_50 = vector.broadcast %jit3A_49 : f32 to vector<128x512xf32>
    %max3A_51 = arith.maximumf %max3A_50, %sub3A_48 : vector<128x512xf32>
    %sub3A_52 = arith.subf %slice3A_39, %slice3A_38 : vector<1x512xf32>
    %sub3A_53 = arith.subf %slice3A_41, %slice3A_40 : vector<128x1xf32>
    %mul3A = arith.mulf %max3A_35, %max3A_51 : vector<128x512xf32>
    %mul3A_54 = arith.mulf %sub3A_36, %sub3A_52 : vector<1x512xf32>
    %mul3A_55 = arith.mulf %sub3A_37, %sub3A_53 : vector<128x1xf32>
    %slice3A_56 = vector.extract_strided_slice %reduce_min3A_13 {offsets = [2, 0], sizes = [1, 512], strides = [1, 1]} : vector<3x512xf32> to vector<1x512xf32>
    %slice3A_57 = vector.extract_strided_slice %reduce_max3A_15 {offsets = [2, 0], sizes = [1, 512], strides = [1, 1]} : vector<3x512xf32> to vector<1x512xf32>
    %slice3A_58 = vector.extract_strided_slice %reduce_min3A_23 {offsets = [0, 2], sizes = [128, 1], strides = [1, 1]} : vector<128x3xf32> to vector<128x1xf32>
    %slice3A_59 = vector.extract_strided_slice %reduce_max3A_25 {offsets = [0, 2], sizes = [128, 1], strides = [1, 1]} : vector<128x3xf32> to vector<128x1xf32>
    %min3A_60 = vector.broadcast %slice3A_57 : vector<1x512xf32> to vector<128x512xf32>
    %min3A_61 = vector.broadcast %slice3A_59 : vector<128x1xf32> to vector<128x512xf32>
    %min3A_62 = arith.minimumf %min3A_60, %min3A_61 : vector<128x512xf32>
    %max3A_63 = vector.broadcast %slice3A_56 : vector<1x512xf32> to vector<128x512xf32>
    %max3A_64 = vector.broadcast %slice3A_58 : vector<128x1xf32> to vector<128x512xf32>
    %max3A_65 = arith.maximumf %max3A_63, %max3A_64 : vector<128x512xf32>
    %sub3A_66 = arith.subf %min3A_62, %max3A_65 : vector<128x512xf32>
    %jit3A_67 = arith.constant 0.000000e+00 : f32
    %max3A_68 = vector.broadcast %jit3A_67 : f32 to vector<128x512xf32>
    %max3A_69 = arith.maximumf %max3A_68, %sub3A_66 : vector<128x512xf32>
    %sub3A_70 = arith.subf %slice3A_57, %slice3A_56 : vector<1x512xf32>
    %sub3A_71 = arith.subf %slice3A_59, %slice3A_58 : vector<128x1xf32>
    %mul3A_72 = arith.mulf %mul3A, %max3A_69 : vector<128x512xf32>
    %mul3A_73 = arith.mulf %mul3A_54, %sub3A_70 : vector<1x512xf32>
    %mul3A_74 = arith.mulf %mul3A_55, %sub3A_71 : vector<128x1xf32>
    %add3A = vector.broadcast %mul3A_73 : vector<1x512xf32> to vector<128x512xf32>
    %add3A_75 = vector.broadcast %mul3A_74 : vector<128x1xf32> to vector<128x512xf32>
    %add3A_76 = arith.addf %add3A, %add3A_75 : vector<128x512xf32>
    %sub3A_77 = arith.subf %add3A_76, %mul3A_72 : vector<128x512xf32>
    %add3A_78 = arith.constant 9.99999993E-9 : f32
    %add3A_79 = vector.broadcast %add3A_78 : f32 to vector<128x512xf32>
    %add3A_80 = arith.addf %sub3A_77, %add3A_79 : vector<128x512xf32>
    %div3A = arith.divf %mul3A_72, %add3A_80 : vector<128x512xf32>
    %mul3A_81 = vector.broadcast %convert_element_type3A_6 : vector<1x512xf32> to vector<128x512xf32>
    %mul3A_82 = arith.mulf %div3A, %mul3A_81 : vector<128x512xf32>
    %reduce_max3A_83 = arith.constant dense<0xFF800000> : vector<128xf32>
    %reduce_max3A_84 = vector.multi_reduction <maximumf>, %mul3A_82, %reduce_max3A_83 [1] : vector<128x512xf32> to vector<128xf32>
    %broadcast_in_dim3A_85 = vector.shape_cast %reduce_max3A_84 : vector<128xf32> to vector<128x1xf32>
    %iota3A = tpu.iota {dimensions = array<i32: 1>} : vector<128x512xi32>
    %eq3A = vector.broadcast %broadcast_in_dim3A_85 : vector<128x1xf32> to vector<128x512xf32>
    %eq3A_86 = arith.cmpf oeq, %mul3A_82, %eq3A : vector<128x512xf32>
    %jit3A_87 = arith.constant 512 : i32
    %broadcast_in_dim3A_88 = vector.broadcast %jit3A_87 : i32 to vector<128x512xi32>
    %select_n3A = arith.select %eq3A_86, %iota3A, %broadcast_in_dim3A_88 : vector<128x512xi1>, vector<128x512xi32>
    %reduce_min3A_89 = arith.constant dense<2147483647> : vector<128xi32>
    %reduce_min3A_90 = vector.multi_reduction <minsi>, %select_n3A, %reduce_min3A_89 [1] : vector<128x512xi32> to vector<128xi32>
    %broadcast_in_dim3A_91 = vector.shape_cast %reduce_min3A_90 : vector<128xi32> to vector<128x1xi32>
    %mul3A_92 = arith.constant 512 : i32
    %mul3A_93 = arith.muli %arg0, %mul3A_92 : i32
    %add3A_94 = vector.broadcast %mul3A_93 : i32 to vector<128x1xi32>
    %add3A_95 = arith.addi %broadcast_in_dim3A_91, %add3A_94 : vector<128x1xi32>
    %swap3A = arith.constant 0 : index
    %swap3A_96 = arith.constant 0 : index
    %swap3A_97 = arith.constant 0 : index
    %swap3A_98 = vector.load %arg9[%swap3A, %swap3A_96, %swap3A_97] : memref<1x128x1xi32, #tpu.memory_space<vmem>>, vector<1x128x1xi32>
    %swap3A_99 = vector.shape_cast %swap3A_98 : vector<1x128x1xi32> to vector<128x1xi32>
    %swap3A_100 = vector.shape_cast %add3A_95 : vector<128x1xi32> to vector<1x128x1xi32>
    tpu.vector_store %arg9[%swap3A, %swap3A_96, %swap3A_97], %swap3A_100 {strides = array<i32>} : memref<1x128x1xi32, #tpu.memory_space<vmem>>, vector<1x128x1xi32>,
    %get3A_101 = arith.constant 0 : index
    %get3A_102 = arith.constant 0 : index
    %get3A_103 = arith.constant 0 : index
    %get3A_104 = vector.load %arg4[%get3A_101, %get3A_102, %get3A_103] : memref<1x128x3xf32, #tpu.memory_space<vmem>>, vector<1x128x3xf32>
    %get3A_105 = vector.shape_cast %get3A_104 : vector<1x128x3xf32> to vector<128x3xf32>
    %slice3A_106 = vector.extract_strided_slice %get3A_105 {offsets = [0, 0], sizes = [128, 1], strides = [1, 1]} : vector<128x3xf32> to vector<128x1xf32>
    %slice3A_107 = vector.extract_strided_slice %get3A_105 {offsets = [0, 0], sizes = [128, 1], strides = [1, 1]} : vector<128x3xf32> to vector<128x1xf32>
    %mul3A_108 = arith.mulf %slice3A_106, %slice3A_107 : vector<128x1xf32>
    %slice3A_109 = vector.extract_strided_slice %get3A_105 {offsets = [0, 1], sizes = [128, 1], strides = [1, 1]} : vector<128x3xf32> to vector<128x1xf32>
    %slice3A_110 = vector.extract_strided_slice %get3A_105 {offsets = [0, 1], sizes = [128, 1], strides = [1, 1]} : vector<128x3xf32> to vector<128x1xf32>
    %mul3A_111 = arith.mulf %slice3A_109, %slice3A_110 : vector<128x1xf32>
    %add3A_112 = arith.addf %mul3A_108, %mul3A_111 : vector<128x1xf32>
    %slice3A_113 = vector.extract_strided_slice %get3A_105 {offsets = [0, 2], sizes = [128, 1], strides = [1, 1]} : vector<128x3xf32> to vector<128x1xf32>
    %slice3A_114 = vector.extract_strided_slice %get3A_105 {offsets = [0, 2], sizes = [128, 1], strides = [1, 1]} : vector<128x3xf32> to vector<128x1xf32>
    %mul3A_115 = arith.mulf %slice3A_113, %slice3A_114 : vector<128x1xf32>
    %add3A_116 = arith.addf %add3A_112, %mul3A_115 : vector<128x1xf32>
    %convert_element_type3A_117 = arith.truncf %get3A_105 : vector<128x3xf32> to vector<128x3xbf16>
    %convert_element_type3A_118 = arith.extf %convert_element_type3A_117 : vector<128x3xbf16> to vector<128x3xf32>
    %broadcast_in_dim3A_119 = arith.constant 0x7F800000 : f32
    %broadcast_in_dim3A_120 = vector.broadcast %broadcast_in_dim3A_119 : f32 to vector<128x1xf32>
    %broadcast_in_dim3A_121 = arith.constant 0 : i32
    %broadcast_in_dim3A_122 = vector.broadcast %broadcast_in_dim3A_121 : i32 to vector<128x1xi32>
    %scan3A = arith.constant 0 : i32
    %scan3A_123 = arith.constant 8 : i32
    %scan3A_124 = arith.addi %scan3A, %scan3A_123 : i32
    %scan3A_125 = arith.constant 1 : i32
    %scan3A_126:2 = scf.for %scan3A_189 = %scan3A to %scan3A_124 step %scan3A_125 iter_args(%scan3A_190 = %broadcast_in_dim3A_120, %scan3A_191 = %broadcast_in_dim3A_122) -> (vector<128x1xf32>, vector<128x1xi32>)  : i32 {
      %mul3A_192 = arith.constant 2048 : i32
      %mul3A_193 = arith.muli %scan3A_189, %mul3A_192 : i32
      %get3A_194 = arith.constant 0 : index
      %get3A_195 = arith.constant 0 : index
      %get3A_196 = arith.index_cast %mul3A_193 : i32 to index
      %get3A_197 = vector.load %arg5[%get3A_194, %get3A_195, %get3A_196] : memref<1x3x16384xf32, #tpu.memory_space<vmem>>, vector<1x3x2048xf32>
      %get3A_198 = vector.shape_cast %get3A_197 : vector<1x3x2048xf32> to vector<3x2048xf32>
      %slice3A_199 = vector.extract_strided_slice %get3A_198 {offsets = [0, 0], sizes = [1, 2048], strides = [1, 1]} : vector<3x2048xf32> to vector<1x2048xf32>
      %slice3A_200 = vector.extract_strided_slice %get3A_198 {offsets = [1, 0], sizes = [1, 2048], strides = [1, 1]} : vector<3x2048xf32> to vector<1x2048xf32>
      %slice3A_201 = vector.extract_strided_slice %get3A_198 {offsets = [2, 0], sizes = [1, 2048], strides = [1, 1]} : vector<3x2048xf32> to vector<1x2048xf32>
      %mul3A_202 = arith.mulf %slice3A_199, %slice3A_199 : vector<1x2048xf32>
      %mul3A_203 = arith.mulf %slice3A_200, %slice3A_200 : vector<1x2048xf32>
      %add3A_204 = arith.addf %mul3A_202, %mul3A_203 : vector<1x2048xf32>
      %mul3A_205 = arith.mulf %slice3A_201, %slice3A_201 : vector<1x2048xf32>
      %add3A_206 = arith.addf %add3A_204, %mul3A_205 : vector<1x2048xf32>
      %convert_element_type3A_207 = arith.truncf %get3A_198 : vector<3x2048xf32> to vector<3x2048xbf16>
      %convert_element_type3A_208 = arith.extf %convert_element_type3A_207 : vector<3x2048xbf16> to vector<3x2048xf32>
      %slice3A_209 = vector.extract_strided_slice %convert_element_type3A_118 {offsets = [0, 0], sizes = [128, 1], strides = [1, 1]} : vector<128x3xf32> to vector<128x1xf32>
      %slice3A_210 = vector.extract_strided_slice %convert_element_type3A_208 {offsets = [0, 0], sizes = [1, 2048], strides = [1, 1]} : vector<3x2048xf32> to vector<1x2048xf32>
      %mul3A_211 = vector.broadcast %slice3A_209 : vector<128x1xf32> to vector<128x2048xf32>
      %mul3A_212 = vector.broadcast %slice3A_210 : vector<1x2048xf32> to vector<128x2048xf32>
      %mul3A_213 = arith.mulf %mul3A_211, %mul3A_212 : vector<128x2048xf32>
      %slice3A_214 = vector.extract_strided_slice %convert_element_type3A_118 {offsets = [0, 1], sizes = [128, 1], strides = [1, 1]} : vector<128x3xf32> to vector<128x1xf32>
      %slice3A_215 = vector.extract_strided_slice %convert_element_type3A_208 {offsets = [1, 0], sizes = [1, 2048], strides = [1, 1]} : vector<3x2048xf32> to vector<1x2048xf32>
      %mul3A_216 = vector.broadcast %slice3A_214 : vector<128x1xf32> to vector<128x2048xf32>
      %mul3A_217 = vector.broadcast %slice3A_215 : vector<1x2048xf32> to vector<128x2048xf32>
      %mul3A_218 = arith.mulf %mul3A_216, %mul3A_217 : vector<128x2048xf32>
      %add3A_219 = arith.addf %mul3A_213, %mul3A_218 : vector<128x2048xf32>
      %slice3A_220 = vector.extract_strided_slice %convert_element_type3A_118 {offsets = [0, 2], sizes = [128, 1], strides = [1, 1]} : vector<128x3xf32> to vector<128x1xf32>
      %slice3A_221 = vector.extract_strided_slice %convert_element_type3A_208 {offsets = [2, 0], sizes = [1, 2048], strides = [1, 1]} : vector<3x2048xf32> to vector<1x2048xf32>
      %mul3A_222 = vector.broadcast %slice3A_220 : vector<128x1xf32> to vector<128x2048xf32>
      %mul3A_223 = vector.broadcast %slice3A_221 : vector<1x2048xf32> to vector<128x2048xf32>
      %mul3A_224 = arith.mulf %mul3A_222, %mul3A_223 : vector<128x2048xf32>
      %add3A_225 = arith.addf %add3A_219, %mul3A_224 : vector<128x2048xf32>
      %add3A_226 = vector.broadcast %add3A_116 : vector<128x1xf32> to vector<128x2048xf32>
      %add3A_227 = vector.broadcast %add3A_206 : vector<1x2048xf32> to vector<128x2048xf32>
      %add3A_228 = arith.addf %add3A_226, %add3A_227 : vector<128x2048xf32>
      %mul3A_229 = arith.constant 2.000000e+00 : f32
      %mul3A_230 = vector.broadcast %mul3A_229 : f32 to vector<128x2048xf32>
      %mul3A_231 = arith.mulf %mul3A_230, %add3A_225 : vector<128x2048xf32>
      %sub3A_232 = arith.subf %add3A_228, %mul3A_231 : vector<128x2048xf32>
      %reduce_min3A_233 = arith.constant dense<0x7F800000> : vector<128xf32>
      %reduce_min3A_234 = vector.multi_reduction <minimumf>, %sub3A_232, %reduce_min3A_233 [1] : vector<128x2048xf32> to vector<128xf32>
      %broadcast_in_dim3A_235 = vector.shape_cast %reduce_min3A_234 : vector<128xf32> to vector<128x1xf32>
      %iota3A_236 = tpu.iota {dimensions = array<i32: 1>} : vector<128x2048xi32>
      %mul3A_237 = arith.constant 2048 : i32
      %mul3A_238 = arith.muli %scan3A_189, %mul3A_237 : i32
      %add3A_239 = vector.broadcast %mul3A_238 : i32 to vector<128x2048xi32>
      %add3A_240 = arith.addi %iota3A_236, %add3A_239 : vector<128x2048xi32>
      %eq3A_241 = vector.broadcast %broadcast_in_dim3A_235 : vector<128x1xf32> to vector<128x2048xf32>
      %eq3A_242 = arith.cmpf oeq, %sub3A_232, %eq3A_241 : vector<128x2048xf32>
      %jit3A_243 = arith.constant 16384 : i32
      %broadcast_in_dim3A_244 = vector.broadcast %jit3A_243 : i32 to vector<128x2048xi32>
      %select_n3A_245 = arith.select %eq3A_242, %add3A_240, %broadcast_in_dim3A_244 : vector<128x2048xi1>, vector<128x2048xi32>
      %reduce_min3A_246 = arith.constant dense<2147483647> : vector<128xi32>
      %reduce_min3A_247 = vector.multi_reduction <minsi>, %select_n3A_245, %reduce_min3A_246 [1] : vector<128x2048xi32> to vector<128xi32>
      %broadcast_in_dim3A_248 = vector.shape_cast %reduce_min3A_247 : vector<128xi32> to vector<128x1xi32>
      %lt3A = arith.cmpf olt, %broadcast_in_dim3A_235, %scan3A_190 : vector<128x1xf32>
      %select_n3A_249 = arith.select %lt3A, %broadcast_in_dim3A_235, %scan3A_190 : vector<128x1xi1>, vector<128x1xf32>
      %select_n3A_250 = arith.select %lt3A, %broadcast_in_dim3A_248, %scan3A_191 : vector<128x1xi1>, vector<128x1xi32>
      scf.yield %select_n3A_249, %select_n3A_250 : vector<128x1xf32>, vector<128x1xi32>
    }
    %scan3A_127 = arith.constant 8 : i32
    %mul3A_128 = arith.constant 16384 : i32
    %mul3A_129 = arith.muli %arg0, %mul3A_128 : i32
    %add3A_130 = vector.broadcast %mul3A_129 : i32 to vector<128x1xi32>
    %add3A_131 = arith.addi %scan3A_126#1, %add3A_130 : vector<128x1xi32>
    %swap3A_132 = arith.constant 0 : index
    %swap3A_133 = arith.constant 0 : index
    %swap3A_134 = arith.constant 0 : index
    %swap3A_135 = vector.load %arg10[%swap3A_132, %swap3A_133, %swap3A_134] : memref<1x128x1xi32, #tpu.memory_space<vmem>>, vector<1x128x1xi32>
    %swap3A_136 = vector.shape_cast %swap3A_135 : vector<1x128x1xi32> to vector<128x1xi32>
    %swap3A_137 = vector.shape_cast %add3A_131 : vector<128x1xi32> to vector<1x128x1xi32>
    tpu.vector_store %arg10[%swap3A_132, %swap3A_133, %swap3A_134], %swap3A_137 {strides = array<i32>} : memref<1x128x1xi32, #tpu.memory_space<vmem>>, vector<1x128x1xi32>,
    %get3A_138 = arith.constant 0 : index
    %get3A_139 = arith.constant 0 : index
    %get3A_140 = arith.constant 0 : index
    %get3A_141 = vector.load %arg6[%get3A_138, %get3A_139, %get3A_140] : memref<1x1x3xf32, #tpu.memory_space<vmem>>, vector<1x1x3xf32>
    %get3A_142 = vector.shape_cast %get3A_141 : vector<1x1x3xf32> to vector<1x3xf32>
    %get3A_143 = arith.constant 0 : index
    %get3A_144 = arith.constant 0 : index
    %get3A_145 = arith.constant 0 : index
    %get3A_146 = vector.load %arg7[%get3A_143, %get3A_144, %get3A_145] : memref<1x1x3xf32, #tpu.memory_space<vmem>>, vector<1x1x3xf32>
    %get3A_147 = vector.shape_cast %get3A_146 : vector<1x1x3xf32> to vector<1x3xf32>
    %sub3A_148 = vector.broadcast %get3A_142 : vector<1x3xf32> to vector<128x3xf32>
    %sub3A_149 = arith.subf %get3A_105, %sub3A_148 : vector<128x3xf32>
    %sub3A_150 = arith.subf %get3A_147, %get3A_142 : vector<1x3xf32>
    %add3A_151 = arith.constant 9.99999993E-9 : f32
    %add3A_152 = vector.broadcast %add3A_151 : f32 to vector<1x3xf32>
    %add3A_153 = arith.addf %sub3A_150, %add3A_152 : vector<1x3xf32>
    %div3A_154 = vector.broadcast %add3A_153 : vector<1x3xf32> to vector<128x3xf32>
    %div3A_155 = arith.divf %sub3A_149, %div3A_154 : vector<128x3xf32>
    %convert_element_type3A_156 = arith.truncf %div3A_155 : vector<128x3xf32> to vector<128x3xbf16>
    %convert_element_type3A_157 = arith.extf %convert_element_type3A_156 : vector<128x3xbf16> to vector<128x3xf32>
    %get3A_158 = arith.constant 0 : index
    %get3A_159 = arith.constant 0 : index
    %get3A_160 = vector.load %arg8[%get3A_158, %get3A_159] : memref<3x128xf32, #tpu.memory_space<vmem>>, vector<3x128xf32>
    %convert_element_type3A_161 = arith.truncf %get3A_160 : vector<3x128xf32> to vector<3x128xbf16>
    %convert_element_type3A_162 = arith.extf %convert_element_type3A_161 : vector<3x128xbf16> to vector<3x128xf32>
    %slice3A_163 = vector.extract_strided_slice %convert_element_type3A_157 {offsets = [0, 0], sizes = [128, 1], strides = [1, 1]} : vector<128x3xf32> to vector<128x1xf32>
    %slice3A_164 = vector.extract_strided_slice %convert_element_type3A_162 {offsets = [0, 0], sizes = [1, 128], strides = [1, 1]} : vector<3x128xf32> to vector<1x128xf32>
    %mul3A_165 = vector.broadcast %slice3A_163 : vector<128x1xf32> to vector<128x128xf32>
    %mul3A_166 = vector.broadcast %slice3A_164 : vector<1x128xf32> to vector<128x128xf32>
    %mul3A_167 = arith.mulf %mul3A_165, %mul3A_166 : vector<128x128xf32>
    %slice3A_168 = vector.extract_strided_slice %convert_element_type3A_157 {offsets = [0, 1], sizes = [128, 1], strides = [1, 1]} : vector<128x3xf32> to vector<128x1xf32>
    %slice3A_169 = vector.extract_strided_slice %convert_element_type3A_162 {offsets = [1, 0], sizes = [1, 128], strides = [1, 1]} : vector<3x128xf32> to vector<1x128xf32>
    %mul3A_170 = vector.broadcast %slice3A_168 : vector<128x1xf32> to vector<128x128xf32>
    %mul3A_171 = vector.broadcast %slice3A_169 : vector<1x128xf32> to vector<128x128xf32>
    %mul3A_172 = arith.mulf %mul3A_170, %mul3A_171 : vector<128x128xf32>
    %add3A_173 = arith.addf %mul3A_167, %mul3A_172 : vector<128x128xf32>
    %slice3A_174 = vector.extract_strided_slice %convert_element_type3A_157 {offsets = [0, 2], sizes = [128, 1], strides = [1, 1]} : vector<128x3xf32> to vector<128x1xf32>
    %slice3A_175 = vector.extract_strided_slice %convert_element_type3A_162 {offsets = [2, 0], sizes = [1, 128], strides = [1, 1]} : vector<3x128xf32> to vector<1x128xf32>
    %mul3A_176 = vector.broadcast %slice3A_174 : vector<128x1xf32> to vector<128x128xf32>
    %mul3A_177 = vector.broadcast %slice3A_175 : vector<1x128xf32> to vector<128x128xf32>
    %mul3A_178 = arith.mulf %mul3A_176, %mul3A_177 : vector<128x128xf32>
    %add3A_179 = arith.addf %add3A_173, %mul3A_178 : vector<128x128xf32>
    %mul3A_180 = arith.constant 6.28318548 : f32
    %mul3A_181 = vector.broadcast %mul3A_180 : f32 to vector<128x128xf32>
    %mul3A_182 = arith.mulf %mul3A_181, %add3A_179 : vector<128x128xf32>
    %sin3A = math.sin %mul3A_182 : vector<128x128xf32>
    %cos3A = math.cos %mul3A_182 : vector<128x128xf32>
    %concatenate3A = tpu.concatenate %sin3A, %cos3A in 1 : vector<128x128xf32>, vector<128x128xf32> -> vector<128x256xf32>
    %swap3A_183 = arith.constant 0 : index
    %swap3A_184 = arith.constant 0 : index
    %swap3A_185 = arith.constant 0 : index
    %swap3A_186 = vector.load %arg11[%swap3A_183, %swap3A_184, %swap3A_185] : memref<1x128x256xf32, #tpu.memory_space<vmem>>, vector<1x128x256xf32>
    %swap3A_187 = vector.shape_cast %swap3A_186 : vector<1x128x256xf32> to vector<128x256xf32>
    %swap3A_188 = vector.shape_cast %concatenate3A : vector<128x256xf32> to vector<1x128x256xf32>
    tpu.vector_store %arg11[%swap3A_183, %swap3A_184, %swap3A_185], %swap3A_188 {strides = array<i32>} : memref<1x128x256xf32, #tpu.memory_space<vmem>>, vector<1x128x256xf32>,
    return
  }
  func.func @transform_0(%arg0: i32) -> (i32, i32, i32) {
    %c0_i32 = arith.constant 0 : i32
    %c0_i32_0 = arith.constant 0 : i32
    %c0_i32_1 = arith.constant 0 : i32
    return %arg0, %c0_i32, %c0_i32_0 : i32, i32, i32
  }
  func.func @transform_1(%arg0: i32) -> (i32, i32, i32, i32) {
    %c0_i32 = arith.constant 0 : i32
    %c0_i32_0 = arith.constant 0 : i32
    %c0_i32_1 = arith.constant 0 : i32
    %c0_i32_2 = arith.constant 0 : i32
    return %arg0, %c0_i32, %c0_i32_0, %c0_i32_1 : i32, i32, i32, i32
  }
  func.func @transform_2(%arg0: i32) -> (i32, i32, i32, i32) {
    %c0_i32 = arith.constant 0 : i32
    %c0_i32_0 = arith.constant 0 : i32
    %c0_i32_1 = arith.constant 0 : i32
    %c0_i32_2 = arith.constant 0 : i32
    return %arg0, %c0_i32, %c0_i32_0, %c0_i32_1 : i32, i32, i32, i32
  }
  func.func @transform_3(%arg0: i32) -> (i32, i32, i32) {
    %c0_i32 = arith.constant 0 : i32
    %c0_i32_0 = arith.constant 0 : i32
    %c0_i32_1 = arith.constant 0 : i32
    return %arg0, %c0_i32, %c0_i32_0 : i32, i32, i32
  }
  func.func @transform_4(%arg0: i32) -> (i32, i32, i32) {
    %c0_i32 = arith.constant 0 : i32
    %c0_i32_0 = arith.constant 0 : i32
    %c0_i32_1 = arith.constant 0 : i32
    return %arg0, %c0_i32, %c0_i32_0 : i32, i32, i32
  }
  func.func @transform_5(%arg0: i32) -> (i32, i32, i32) {
    %c0_i32 = arith.constant 0 : i32
    %c0_i32_0 = arith.constant 0 : i32
    %c0_i32_1 = arith.constant 0 : i32
    return %arg0, %c0_i32, %c0_i32_0 : i32, i32, i32
  }
  func.func @transform_6(%arg0: i32) -> (i32, i32, i32) {
    %c0_i32 = arith.constant 0 : i32
    %c0_i32_0 = arith.constant 0 : i32
    %c0_i32_1 = arith.constant 0 : i32
    return %arg0, %c0_i32, %c0_i32_0 : i32, i32, i32
  }
  func.func @transform_7(%arg0: i32) -> (i32, i32) {
    %c0_i32 = arith.constant 0 : i32
    %c0_i32_0 = arith.constant 0 : i32
    %c0_i32_1 = arith.constant 0 : i32
    return %c0_i32, %c0_i32_0 : i32, i32
  }
  func.func @transform_8(%arg0: i32) -> (i32, i32, i32) {
    %c0_i32 = arith.constant 0 : i32
    %c0_i32_0 = arith.constant 0 : i32
    %c0_i32_1 = arith.constant 0 : i32
    return %arg0, %c0_i32, %c0_i32_0 : i32, i32, i32
  }
  func.func @transform_9(%arg0: i32) -> (i32, i32, i32) {
    %c0_i32 = arith.constant 0 : i32
    %c0_i32_0 = arith.constant 0 : i32
    %c0_i32_1 = arith.constant 0 : i32
    return %arg0, %c0_i32, %c0_i32_0 : i32, i32, i32
  }
  func.func @transform_10(%arg0: i32) -> (i32, i32, i32) {
    %c0_i32 = arith.constant 0 : i32
    %c0_i32_0 = arith.constant 0 : i32
    %c0_i32_1 = arith.constant 0 : i32
    return %arg0, %c0_i32, %c0_i32_0 : i32, i32, i32
  }
}

module attributes {stable_mosaic.version = 14 : i64} {
  func.func @_mlp_body(%arg0: i32, %arg1: i32, %arg2: memref<1x1024x512xbf16, #tpu.memory_space<vmem>>, %arg3: memref<1x512x768xbf16, #tpu.memory_space<vmem>>, %arg4: memref<1x1x768xf32, #tpu.memory_space<vmem>>, %arg5: memref<1x768x768xbf16, #tpu.memory_space<vmem>>, %arg6: memref<1x1x768xf32, #tpu.memory_space<vmem>>, %arg7: memref<8x1x128x768xf32, #tpu.memory_space<vmem>>, %arg8: memref<1024x768xf32, #tpu.memory_space<vmem>>) attributes {dimension_semantics = [#tpu.dimension_semantics<arbitrary>, #tpu.dimension_semantics<arbitrary>], iteration_bounds = array<i64: 2, 8>, scalar_prefetch = 0 : i64, scratch_operands = 1 : i64, tpu.core_type = #tpu.core_type<tc>, window_params = [{transform_indices = @transform_0, window_bounds = array<i64: 1, 1024, 512>}, {transform_indices = @transform_1, window_bounds = array<i64: 1, 512, 768>}, {transform_indices = @transform_2, window_bounds = array<i64: 1, 1, 768>}, {transform_indices = @transform_3, window_bounds = array<i64: 1, 768, 768>}, {transform_indices = @transform_4, window_bounds = array<i64: 1, 1, 768>}, {transform_indices = @transform_5, window_bounds = array<i64: 8, 1, 128, 768>}]} {
    %eq3A = arith.constant 0 : i32
    %eq3A_0 = arith.cmpi eq, %arg1, %eq3A : i32
    %convert_element_type3A = arith.extui %eq3A_0 : i1 to i32
    %cond3A = arith.constant 0 : i32
    %cond3A_1 = arith.cmpi ne, %convert_element_type3A, %cond3A : i32
    scf.if %cond3A_1 {
      %get3A_21 = arith.constant 0 : index
      %get3A_22 = arith.constant 0 : index
      %get3A_23 = arith.constant 0 : index
      %get3A_24 = vector.load %arg2[%get3A_21, %get3A_22, %get3A_23] : memref<1x1024x512xbf16, #tpu.memory_space<vmem>>, vector<1x1024x512xbf16>
      %get3A_25 = vector.shape_cast %get3A_24 : vector<1x1024x512xbf16> to vector<1024x512xbf16>
      %get3A_26 = arith.constant 0 : index
      %get3A_27 = arith.constant 0 : index
      %get3A_28 = arith.constant 0 : index
      %get3A_29 = vector.load %arg3[%get3A_26, %get3A_27, %get3A_28] : memref<1x512x768xbf16, #tpu.memory_space<vmem>>, vector<1x512x768xbf16>
      %get3A_30 = vector.shape_cast %get3A_29 : vector<1x512x768xbf16> to vector<512x768xbf16>
      %dot_general3A_31 = arith.constant dense<0.000000e+00> : vector<1024x768xf32>
      %dot_general3A_32 = tpu.matmul %get3A_25, %get3A_30, %dot_general3A_31 {dimension_numbers = #tpu.dot_dimension_numbers<[1], [0], [0], [1], [0, 0, 1, 1], [], []>, transpose_lhs_hint = false} : vector<1024x512xbf16>, vector<512x768xbf16>, vector<1024x768xf32> -> vector<1024x768xf32>
      %get3A_33 = arith.constant 0 : index
      %get3A_34 = arith.constant 0 : index
      %get3A_35 = arith.constant 0 : index
      %get3A_36 = vector.load %arg4[%get3A_33, %get3A_34, %get3A_35] : memref<1x1x768xf32, #tpu.memory_space<vmem>>, vector<1x1x768xf32>
      %get3A_37 = vector.shape_cast %get3A_36 : vector<1x1x768xf32> to vector<1x768xf32>
      %add3A_38 = vector.broadcast %get3A_37 : vector<1x768xf32> to vector<1024x768xf32>
      %add3A_39 = arith.addf %dot_general3A_32, %add3A_38 : vector<1024x768xf32>
      %max3A = arith.constant 0.000000e+00 : f32
      %max3A_40 = vector.broadcast %max3A : f32 to vector<1024x768xf32>
      %max3A_41 = arith.maximumf %add3A_39, %max3A_40 : vector<1024x768xf32>
      %swap3A_42 = arith.constant 0 : index
      %swap3A_43 = arith.constant 0 : index
      %swap3A_44 = vector.load %arg8[%swap3A_42, %swap3A_43] : memref<1024x768xf32, #tpu.memory_space<vmem>>, vector<1024x768xf32>
      tpu.vector_store %arg8[%swap3A_42, %swap3A_43], %max3A_41 {strides = array<i32>} : memref<1024x768xf32, #tpu.memory_space<vmem>>, vector<1024x768xf32>,
    } else {
    }
    %get3A = arith.constant 0 : index
    %get3A_2 = arith.constant 0 : index
    %get3A_3 = vector.load %arg8[%get3A, %get3A_2] : memref<1024x768xf32, #tpu.memory_space<vmem>>, vector<1024x768xf32>
    %convert_element_type3A_4 = arith.truncf %get3A_3 : vector<1024x768xf32> to vector<1024x768xbf16>
    %get3A_5 = arith.constant 0 : index
    %get3A_6 = arith.constant 0 : index
    %get3A_7 = arith.constant 0 : index
    %get3A_8 = vector.load %arg5[%get3A_5, %get3A_6, %get3A_7] : memref<1x768x768xbf16, #tpu.memory_space<vmem>>, vector<1x768x768xbf16>
    %get3A_9 = vector.shape_cast %get3A_8 : vector<1x768x768xbf16> to vector<768x768xbf16>
    %dot_general3A = arith.constant dense<0.000000e+00> : vector<1024x768xf32>
    %dot_general3A_10 = tpu.matmul %convert_element_type3A_4, %get3A_9, %dot_general3A {dimension_numbers = #tpu.dot_dimension_numbers<[1], [0], [0], [1], [0, 0, 1, 1], [], []>, transpose_lhs_hint = false} : vector<1024x768xbf16>, vector<768x768xbf16>, vector<1024x768xf32> -> vector<1024x768xf32>
    %get3A_11 = arith.constant 0 : index
    %get3A_12 = arith.constant 0 : index
    %get3A_13 = arith.constant 0 : index
    %get3A_14 = vector.load %arg6[%get3A_11, %get3A_12, %get3A_13] : memref<1x1x768xf32, #tpu.memory_space<vmem>>, vector<1x1x768xf32>
    %get3A_15 = vector.shape_cast %get3A_14 : vector<1x1x768xf32> to vector<1x768xf32>
    %add3A = vector.broadcast %get3A_15 : vector<1x768xf32> to vector<1024x768xf32>
    %add3A_16 = arith.addf %dot_general3A_10, %add3A : vector<1024x768xf32>
    %reshape3A = vector.shape_cast %add3A_16 : vector<1024x768xf32> to vector<8x1x128x768xf32>
    %swap3A = arith.constant 0 : index
    %swap3A_17 = arith.constant 0 : index
    %swap3A_18 = arith.constant 0 : index
    %swap3A_19 = arith.constant 0 : index
    %swap3A_20 = vector.load %arg7[%swap3A, %swap3A_17, %swap3A_18, %swap3A_19] : memref<8x1x128x768xf32, #tpu.memory_space<vmem>>, vector<8x1x128x768xf32>
    tpu.vector_store %arg7[%swap3A, %swap3A_17, %swap3A_18, %swap3A_19], %reshape3A {strides = array<i32>} : memref<8x1x128x768xf32, #tpu.memory_space<vmem>>, vector<8x1x128x768xf32>,
    return
  }
  func.func @transform_0(%arg0: i32, %arg1: i32) -> (i32, i32, i32) {
    %c0_i32 = arith.constant 0 : i32
    %c0_i32_0 = arith.constant 0 : i32
    %c0_i32_1 = arith.constant 0 : i32
    return %arg0, %c0_i32, %c0_i32_0 : i32, i32, i32
  }
  func.func @transform_1(%arg0: i32, %arg1: i32) -> (i32, i32, i32) {
    %c0_i32 = arith.constant 0 : i32
    %c0_i32_0 = arith.constant 0 : i32
    %c0_i32_1 = arith.constant 0 : i32
    return %arg0, %c0_i32, %c0_i32_0 : i32, i32, i32
  }
  func.func @transform_2(%arg0: i32, %arg1: i32) -> (i32, i32, i32) {
    %c0_i32 = arith.constant 0 : i32
    %c0_i32_0 = arith.constant 0 : i32
    %c0_i32_1 = arith.constant 0 : i32
    return %arg0, %c0_i32, %c0_i32_0 : i32, i32, i32
  }
  func.func @transform_3(%arg0: i32, %arg1: i32) -> (i32, i32, i32) {
    %c0_i32 = arith.constant 0 : i32
    %c0_i32_0 = arith.constant 0 : i32
    return %arg0, %c0_i32, %arg1 : i32, i32, i32
  }
  func.func @transform_4(%arg0: i32, %arg1: i32) -> (i32, i32, i32) {
    %c0_i32 = arith.constant 0 : i32
    %c0_i32_0 = arith.constant 0 : i32
    return %arg0, %c0_i32, %arg1 : i32, i32, i32
  }
  func.func @transform_5(%arg0: i32, %arg1: i32) -> (i32, i32, i32, i32) {
    %c0_i32 = arith.constant 0 : i32
    %c0_i32_0 = arith.constant 0 : i32
    %c0_i32_1 = arith.constant 0 : i32
    return %c0_i32, %arg0, %c0_i32_0, %arg1 : i32, i32, i32, i32
  }
}

</mosaic_0001>

<sc_bundles>
// kernel: kernel.5.cloned.1.call-start
scs
__scs_entry_jumppad:
0x0: {  	(pc) =	sbr.rel $0x88, $3  }
0x1: {  	(tag) =	ssettag $0x0;
	lr =	simm.s32 $0x1  }
0x2: {  	[smem:$0x3F8D] =	sst lr;
	_ =	strace $0xD0000000  }
0x3: {  	_ = 	snop  }
0x4: {  	_ = 	snop  }
0x5: {  	_ = 	snop  }
0x6: {  	_ = 	snop  }
0x7: {  	_ = 	snop  }
__scs_overlays_trampoline_lowered:
0x8: {  	[smem:$0x3F9C] =	sst s0  }
0x9: {  	[smem:$0x3F9D] =	sst s1  }
0xa: {  	[smem:$0x3F9E] =	sst s2  }
0xb: {  	[smem:$0x3F9F] =	sst s3  }
0xc: {  	[smem:$0x3FA0] =	sst s4  }
0xd: {  	[smem:$0x3FA1] =	sst s5  }
0xe: {  	[smem:$0x3FA2] =	sst s6  }
0xf: {  	[smem:$0x3FA3] =	sst s7  }
0x10: {  	[smem:$0x3FA4] =	sst s8  }
0x11: {  	[smem:$0x3FA5] =	sst s9;
	s0 =	simm.s32 @!p0 $0x0  }
0x12: {  	s1 =	sld [smem:$0x3F8B];
	s0 =	simm.s32 @p0 $0x1  }
0x13: {  	[smem:$0x3FA6] =	sst s0;
	s0 =	simm.s32 @!p1 $0x0  }
0x14: {  	s2 =	sld [smem:$0x3F8A];
	s0 =	simm.s32 @p1 $0x1  }
0x15: {  	[smem:$0x3FA7] =	sst s0;
	s0 =	simm.s32 @!p2 $0x0  }
0x16: {  	s3 =	sld [smem:$0x3FDB];
	s0 =	simm.s32 @p2 $0x1  }
0x17: {  	s4 =	simm.s32 $0x1BF5;
	[smem:$0x3FA9] =	sst s0  }
0x18: {  	s0 =	sld [smem:$0x3F8C];
	_ =	swait.ge [sflag:s4], $0x0  }
0x19: {  	s7 =	sld [smem:$0x3F8D]  }
0x1a: {  	s8 =	sadd.s32 $0xFFFFE003, lr  }
0x1b: {  	s9 =	sadd.s32 $0xFFFFFEF7, lr;
	s5 =	simm.s32 $0xFFFFFFFF;
	p2 =	slt.u32 s8, $0xFFFFF086  }
0x1c: {  	p1 =	slt.u32 s9, $0xF7A;
	s5 =	simm.s32 @!p2 $0x0  }
0x1d: {  	s5 =	simm.s32 @p1 $0x1;
	p0 =	seq.s32 s7, s2  }
0x1e: {  	s7 =	smul.u32 @!p0 $0xF7A, s2;
	p2 =	seq.s32 @!p0 s5, $0x0  }
0x1f: {  	s9 =	smul.u32 $0xF7A, s1;
	s8 =	simm.s32 @!p0 $0x1BF5;
	p2 =	por !p2, p0  }
0x20: {  	[sflag:s8] =	ssyncset.s32 @!p0 $0xFFFFF086;
	s6 =	sadd.s32 @!p0 s3, s7;
	s7 =	simm.s32 @!p0 $0x108  }
0x21: {  	s3 =	sadd.s32 s3, s9;
	s6 =	sadd.s32 @!p0 $0x88, s6;
	s7 =	simm.s32 @p2 $0x1082  }
0x22: {  	[simem:s7], [sflag:s8] =	dma.local @!p0 [hbm:s6], $0xF7A  }
0x23: {  	s9 =	sor.u32 $0xD0000000, s2;
	s6 =	simm.s32 $0x108;
	_ =	swait.ge @!p0 [sflag:s8], $0x0  }
0x24: {  	s3 =	sadd.s32 $0x88, s3;
	s6 =	simm.s32 @!p1 $0x1082;
	[sflag:s4] =	ssyncset.s32 $0xFFFFF086  }
0x25: {  	[simem:s6], [sflag:s4] =	dma.local [hbm:s3], $0xF7A  }
0x26: {  	[smem:$0x3F8D] =	sst s1;
	(tag) =	ssettag s2;
	_ =	strace s9  }
0x27: {  	s1 =	sld [smem:$0x3F9D]  }
0x28: {  	s2 =	sld [smem:$0x3F9E]  }
0x29: {  	s4 =	sld [smem:$0x3FA0]  }
0x2a: {  	p0 =	seq.s32 s5, $0x0;
	s5 =	sld [smem:$0x3FA1]  }
0x2b: {  	s6 =	sld [smem:$0x3FA2]  }
0x2c: {  	s7 =	sld [smem:$0x3FA3]  }
0x2d: {  	s3 =	simm.s32 $0x108;
	s8 =	sld [smem:$0x3FA4]  }
0x2e: {  	s3 =	simm.s32 @!p0 $0x1082;
	s9 =	sld [smem:$0x3FA5]  }
0x2f: {  	lr =	sadd.s32 s0, s3;
	s0 =	sld [smem:$0x3F9C]  }
0x30: {  	s3 =	sld [smem:$0x3F9F]  }
0x31: {  	[smem:$0x3FA8] =	sst s10  }
0x32: {  	s10 =	sld [smem:$0x3FA6];
	_ =	sdelay $0x3  }
0x33: {  	p0 =	seq.s32 s10, $0x1;
	s10 =	sld [smem:$0x3FA8];
	_ =	sdelay $0x3  }
0x34: {  	[smem:$0x3FA8] =	sst s10  }
0x35: {  	s10 =	sld [smem:$0x3FA7];
	_ =	sdelay $0x3  }
0x36: {  	p1 =	seq.s32 s10, $0x1;
	s10 =	sld [smem:$0x3FA8];
	_ =	sdelay $0x3  }
0x37: {  	[smem:$0x3FA8] =	sst s10  }
0x38: {  	s10 =	sld [smem:$0x3FA9]  }
0x39: {  	_ = 	snop;
	(pc) =	sbr.ind lr, $3  }
0x3a: {  	_ = 	snop  }
0x3b: {  	_ = 	snop  }
0x3c: {  	p2 =	seq.s32 s10, $0x1;
	s10 =	sld [smem:$0x3FA8]  }
0x3d: {  	_ =	shalt  }
0x3e: {  	_ =	shalt  }
0x3f: {  	_ =	shalt  }
0x40: {  	_ =	shalt  }
0x41: {  	_ =	shalt  }
0x42: {  	_ =	shalt  }
0x43: {  	_ =	shalt  }
0x44: {  	_ =	shalt  }
0x45: {  	_ =	shalt  }
0x46: {  	_ =	shalt  }
0x47: {  	_ =	shalt  }
0x48: {  	_ =	shalt  }
0x49: {  	_ =	shalt  }
0x4a: {  	_ =	shalt  }
0x4b: {  	_ =	shalt  }
0x4c: {  	_ =	shalt  }
0x4d: {  	_ =	shalt  }
0x4e: {  	_ =	shalt  }
0x4f: {  	_ =	shalt  }
0x50: {  	_ =	shalt  }
0x51: {  	_ =	shalt  }
0x52: {  	_ =	shalt  }
0x53: {  	_ =	shalt  }
0x54: {  	_ =	shalt  }
0x55: {  	_ =	shalt  }
0x56: {  	_ =	shalt  }
0x57: {  	_ =	shalt  }
0x58: {  	_ =	shalt  }
0x59: {  	_ =	shalt  }
0x5a: {  	_ =	shalt  }
0x5b: {  	_ =	shalt  }
0x5c: {  	_ =	shalt  }
0x5d: {  	_ =	shalt  }
0x5e: {  	_ =	shalt  }
0x5f: {  	_ =	shalt  }
0x60: {  	_ =	shalt  }
0x61: {  	_ =	shalt  }
0x62: {  	_ =	shalt  }
0x63: {  	_ =	shalt  }
0x64: {  	_ =	shalt  }
0x65: {  	_ =	shalt  }
0x66: {  	_ =	shalt  }
0x67: {  	_ =	shalt  }
0x68: {  	_ =	shalt  }
0x69: {  	_ =	shalt  }
0x6a: {  	_ =	shalt  }
0x6b: {  	_ =	shalt  }
0x6c: {  	_ =	shalt  }
0x6d: {  	_ =	shalt  }
0x6e: {  	_ =	shalt  }
0x6f: {  	_ =	shalt  }
0x70: {  	_ =	shalt  }
0x71: {  	_ =	shalt  }
0x72: {  	_ =	shalt  }
0x73: {  	_ =	shalt  }
0x74: {  	_ =	shalt  }
0x75: {  	_ =	shalt  }
0x76: {  	_ =	shalt  }
0x77: {  	_ =	shalt  }
0x78: {  	_ =	shalt  }
0x79: {  	_ =	shalt  }
0x7a: {  	_ =	shalt  }
0x7b: {  	_ =	shalt  }
0x7c: {  	_ =	shalt  }
0x7d: {  	_ =	shalt  }
0x7e: {  	_ =	shalt  }
0x7f: {  	_ =	shalt  }
0x80: {  	_ =	shalt  }
0x81: {  	_ =	shalt  }
0x82: {  	_ =	shalt  }
0x83: {  	_ =	shalt  }
0x84: {  	_ =	shalt  }
0x85: {  	_ =	shalt  }
0x86: {  	_ =	shalt  }
0x87: {  	_ =	shalt  }
.Lfunc_end0:
.L_simem_size_0:
called_computation_lowered:
.L_overlay_start_0:
0x88: {  	s2 =	sld [smem:$0x3FD9]  }
0x89: {  	s3 =	sld [smem:$0x3FFE];
	_ =	sdelay $0x1  }
0x8a: {  	s1 =	srdreg.scid  }
0x8b: {  	s0 =	sand.u32 $0x1, s1  }
0x8c: {  	s17 =	sshll.u32 s0, $0xA;
	s2 =	sadd.s32 s3, s2  }
0x8d: {  	s2 =	sadd.s32 s2, s17  }
0x8e: {  	[smem:$0x3FB4] =	sst s2  }
0x8f: {  	_ = 	snop  }
0x90: {  	s2 =	sld [smem:$0x3FC5];
	(tm) =	ssettm $0x1  }
0x91: {  	s18 =	sld [smem:$0x3FFB];
	_ =	sdelay $0x3  }
0x92: {  	_ =	strace s18  }
0x93: {  	s3 =	sld [smem:$0x3FFC];
	_ =	sdelay $0x3  }
0x94: {  	_ =	strace s3  }
0x95: {  	s3 =	sld [smem:$0x3FFD];
	_ =	sdelay $0x3  }
0x96: {  	_ =	strace s3  }
0x97: {  	_ =	strace $0x8FFFFFFF  }
0x98: {  	s19 =	sld [smem:$0x3FDB];
	_ =	sdelay $0x1  }
0x99: {  	s4 =	simm.s32 $_scs_section_size  }
0x9a: {  	s5 =	simm.s32 $_size__tile_overlayer_lowered;
	s6 =	simm.s32 $_tile_overlayer_lowered  }
0x9b: {  	s22 =	simm.s32 $0x1BFF;
	s21 =	sshll.u32 s6, $0x1;
	s3 =	sadd.s32 s4, s19  }
0x9c: {  	s7 =	simm.s32 $0x0;
	s20 =	sshll.u32 s5, $0x1;
	s5 =	sadd.s32 s21, s3  }
0x9d: {  	[timem:s7], [sflag:s22] =	dma.local [hbm:s5], s20  }
0x9e: {  	_ =	swait.ge [sflag:s22], s20  }
0x9f: {  	s4 =	ssub.s32 $0x0, s20;
	[sflag:s22] =	ssyncset.done $0x0  }
0xa0: {  	[sflag:s22] =	ssyncadd.s32 s4;
	_ =	sdelay $0x1  }
0xa1: {  	s23 =	simm.s32 $0x1B8B  }
0xa2: {  	_ =	swait.ge [sflag:s23], $0x1  }
0xa3: {  	[sflag:s23] =	ssyncset.done $0x0  }
0xa4: {  	s25 =	simm.s32 $0x1B8E;
	s24 =	sld [smem:$0x3FFE];
	[sflag:s23] =	ssyncadd.s32 $0xFFFFFFFF  }
0xa5: {  	s26 =	simm.s32 $execute0_lowered;
	[smem:$0x3FD2] =	sst s25  }
0xa6: {  	s5 =	sshll.u32 s26, $0x1;
	_ =	strace $0x80000046;
	[dreg:$0x1] =	wrdreg $0xFFFFFFFF  }
0xa7: {  	s28 =	simm.s32 $_size_execute0_lowered;
	s3 =	sadd.s32 s3, s5;
	[dreg:$0x0] =	wrdreg $0x0  }
0xa8: {  	s5 =	sshll.u32 s28, $0x1;
	[dreg:$0x2] =	wrdreg s3  }
0xa9: {  	[dreg:$0x3] =	wrdreg s5  }
0xaa: {  	[dreg:$0x4] =	wrdreg $0xC0  }
0xab: {  	_ =	task [dreg:s7], $0x5FFFF  }
0xac: {  	[dreg:$0x1] =	wrdreg $0xFFFFFFFF  }
0xad: {  	[dreg:$0x0] =	wrdreg $0x60  }
0xae: {  	[dreg:$0x2] =	wrdreg s24  }
0xaf: {  	[dreg:$0x3] =	wrdreg s2  }
0xb0: {  	[dreg:$0x4] =	wrdreg $0x9  }
0xb1: {  	_ =	task.clear_ibuf [dreg:s7], $0x5FFFF;
	_ =	strace $0x90000046  }
0xb2: {  	s29 =	simm.s32 $0x9;
	_ =	strace $0x80000048  }
0xb3: {  	_ =	swait.ge [sflag:s29], $0x1  }
0xb4: {  	[sflag:s29] =	ssyncadd.s32 $0xFFFFFFFF  }
0xb5: {  	_ =	strace $0x90000048  }
0xb6: {  	_ =	sfence  }
0xb7: {  	s30 =	sld [smem:$0x0];
	_ =	sdelay $0x2  }
0xb8: {  	s31 =	sshll.u32 s1, $0xD;
	s1 =	sshrl.u32 s1, $0x2  }
0xb9: {  	s3 =	sand.u32 $0x4000, s31;
	s1 =	sadd.s32 s1, s30  }
0xba: {  	s0 =	sor.u32 s3, s0;
	s1 =	sshll.u32 s1, $0x11  }
0xbb: {  	s0 =	sor.u32 s1, s0  }
0xbc: {  	s0 =	sadd.s32 $0x8F2B, s0  }
0xbd: {  	[sflag:s0] =	ssyncadd.remote.s32 $0x1  }
0xbe: {  	_ =	sfence.sel $0xFFFF  }
0xbf: {  	[dreg:$0x0] =	wrdreg $0xFFFFFFFF;
	(pc) =	sbr.abs _section_cstart, $3  }
0xc0: {  	[dreg:$0x1] =	wrdreg $0xFFFFFFFF  }
0xc1: {  	_ =	task.clear_ibuf [dreg:s7], $0x2FFFF;
	_ =	strace $0x9FFFFFFF  }
0xc2: {  	(tm) =	ssettm $0x7FFFFFFF  }
0xc3: {  	_ =	shalt  }
tec
execute0_lowered:
.L_overlay_start_1:
0x0: {  	(tag) =	ssettag $0x1  }
0x1: {  	s5 =	rddreg [dreg:$0x0]  }
0x2: {  	s2 =	rddreg [dreg:$0x1]  }
0x3: {  	s0 =	rddreg [dreg:$0x2];
	s4 =	srdreg.scid  }
0x4: {  	s3 =	simm.s32 $0x0;
	s1 =	stileid.u32;
	s11 =	simm.s32 $0x2080  }
0x5: {  	s12 =	simm.s32 $0x80;
	s13 =	simm.s32 $0x880;
	s14 =	simm.s32 $0x1080  }
0x6: {  	s15 =	simm.s32 $0x1880;
	s16 =	simm.s32 $0x2100;
	s17 =	simm.s32 $0x2900  }
0x7: {  	s18 =	simm.s32 $0x3100;
	s19 =	simm.s32 $0x3900;
	s20 =	simm.s32 $0x1  }
0x8: {  	s21 =	simm.s32 $0x2;
	s6 =	sand.u32 $0x1, s4;
	[smem:$0x7FF] =	sst s3  }
0x9: {  	s7 =	sshll.u32 s1, $0x6;
	s4 =	sadd.s32 $0x3800, s5;
	s8 =	sshll.u32 s6, $0x5  }
0xa: {  	_ =	strace $0x80000047;
	s6 =	ssub.s32 $0x2, s6;
	s7 =	sor.u32 s8, s7  }
0xb: {  	s31 =	sshrl.u32 s6, $0x1;
	s8 =	sshrl.u32 s7, $0x3;
	s7 =	sshll.u32 s7, $0x5  }
0xc: {  	v2 =	vlaneseq.u32;
	s10 =	ssub.s32 s6, s31;
	s8 =	sadd.s32 s8, s5;
	s9 =	sadd.s32 s7, s5  }
0xd: {  	vm0 =	vmmov $0xffff;
	v1 =	vshrl.u32 v2, $0x3;
	s5 =	sadd.s32 $0x3400, s8;
	s6 =	sadd.s32 $0x3600, s8;
	s7 =	sadd.s32 $0x23800, s9  }
0xe: {  	v0 =	vand.u32 $0x7, v2;
	v2 =	vor.u32 $0x8, v2;
	v1 =	vmul.u32 $0x8, v1;
	s8 =	sadd.s32 $0x2B800, s9;
	s9 =	smax.u32 s10, $0x1;
	s10 =	simm.s32 $0x3  }
.LBB2_1:
0xf: {  	[tilespmem:s3], [sflag:$0x3] =	stream.linear.gather [hbm4b:s5+s3], $0x20, $0x38;
	[tilespmem:$0x4100] =	vst v63  }
0x10: {  	_ =	swait.ge [sflag:s10], $0x20  }
0x11: {  	[sflag:s10] =	ssyncset.done $0x0  }
0x12: {  	[sflag:s10] =	ssyncadd.s32 $0xFFFFFFE0  }
0x13: {  	[tilespmem:s11], [sflag:$0x3] =	stream.linear.gather [hbm4b:s6+s3], $0x20, $0x38;
	[tilespmem:$0x4100] =	vst v63  }
0x14: {  	_ =	swait.ge [sflag:s10], $0x20  }
0x15: {  	[sflag:s10] =	ssyncset.done $0x0  }
0x16: {  	[sflag:s10] =	ssyncadd.s32 $0xFFFFFFE0  }
0x17: {  	v3 =	vld [tilespmem:$0x0];
	_ =	sdelay $0x4  }
0x18: {  	v4 =	vshll.u32 v3, $0x1  }
0x19: {  	v3 =	vand.u32 $0x7, v3;
	v4 =	vand.u32 $0xFFFFFFF0, v4  }
0x1a: {  	v3 =	vor.u32 v3, v4  }
0x1b: {  	v4 =	vperm.xlane v3, v0;
	_ =	sdelay $0x1  }
0x1c: {  	v3 =	vperm.xlane v3, v2;
	v4 =	vadd.s32 v1, v4;
	_ =	sdelay $0x1  }
0x1d: {  	v3 =	vadd.s32 v1, v3;
	_ =	sdelay $0x2  }
0x1e: {  	[tilespmem:s12], [sflag:$0x1] =	stream.indirect_vreg.gather [hbm4b:s4+s3], $0x80, v4, vm0, $0xb8;
	[tilespmem:$0x4100] =	vst v63  }
0x1f: {  	_ = 	snop  }
0x20: {  	[tilespmem:s13], [sflag:$0x1] =	stream.indirect_vreg.gather [hbm4b:s4+s3], $0x80, v3, vm0, $0xb8;
	[tilespmem:$0x4100] =	vst v63  }
0x21: {  	v3 =	vld [tilespmem:$0x10];
	_ =	sdelay $0x4  }
0x22: {  	v61 =	vshll.u32 v3, $0x1  }
0x23: {  	v3 =	vand.u32 $0x7, v3;
	v4 =	vand.u32 $0xFFFFFFF0, v61  }
0x24: {  	v3 =	vor.u32 v3, v4  }
0x25: {  	v4 =	vperm.xlane v3, v0;
	_ =	sdelay $0x1  }
0x26: {  	v3 =	vperm.xlane v3, v2;
	v4 =	vadd.s32 v1, v4;
	_ =	sdelay $0x1  }
0x27: {  	v3 =	vadd.s32 v1, v3;
	_ =	sdelay $0x2  }
0x28: {  	[tilespmem:s14], [sflag:$0x1] =	stream.indirect_vreg.gather [hbm4b:s4+s3], $0x80, v4, vm0, $0xb8;
	[tilespmem:$0x4100] =	vst v63  }
0x29: {  	_ = 	snop  }
0x2a: {  	[tilespmem:s15], [sflag:$0x1] =	stream.indirect_vreg.gather [hbm4b:s4+s3], $0x80, v3, vm0, $0xb8;
	[tilespmem:$0x4100] =	vst v63  }
0x2b: {  	v3 =	vld [tilespmem:$0x2080];
	_ =	sdelay $0x4  }
0x2c: {  	v62 =	vshll.u32 v3, $0x1  }
0x2d: {  	v3 =	vand.u32 $0x7, v3;
	v4 =	vand.u32 $0xFFFFFFF0, v62  }
0x2e: {  	v3 =	vor.u32 v3, v4  }
0x2f: {  	v4 =	vperm.xlane v3, v0;
	_ =	sdelay $0x1  }
0x30: {  	v3 =	vperm.xlane v3, v2;
	v4 =	vadd.s32 v1, v4;
	_ =	sdelay $0x1  }
0x31: {  	v3 =	vadd.s32 v1, v3;
	_ =	sdelay $0x2  }
0x32: {  	[tilespmem:s16], [sflag:$0x2] =	stream.indirect_vreg.gather [hbm4b:s2+s3], $0x80, v4, vm0, $0xb8;
	[tilespmem:$0x4100] =	vst v63  }
0x33: {  	_ = 	snop  }
0x34: {  	[tilespmem:s17], [sflag:$0x2] =	stream.indirect_vreg.gather [hbm4b:s2+s3], $0x80, v3, vm0, $0xb8;
	[tilespmem:$0x4100] =	vst v63  }
0x35: {  	v3 =	vld [tilespmem:$0x2090];
	_ =	sdelay $0x4  }
0x36: {  	v63 =	vshll.u32 v3, $0x1  }
0x37: {  	v3 =	vand.u32 $0x7, v3;
	v4 =	vand.u32 $0xFFFFFFF0, v63  }
0x38: {  	v3 =	vor.u32 v3, v4  }
0x39: {  	v4 =	vperm.xlane v3, v0;
	_ =	sdelay $0x1  }
0x3a: {  	v3 =	vperm.xlane v3, v2;
	v4 =	vadd.s32 v1, v4;
	_ =	sdelay $0x1  }
0x3b: {  	v3 =	vadd.s32 v1, v3;
	_ =	sdelay $0x2  }
0x3c: {  	[tilespmem:s18], [sflag:$0x2] =	stream.indirect_vreg.gather [hbm4b:s2+s3], $0x80, v4, vm0, $0xb8;
	[tilespmem:$0x4100] =	vst v63  }
0x3d: {  	_ = 	snop  }
0x3e: {  	[tilespmem:s19], [sflag:$0x2] =	stream.indirect_vreg.gather [hbm4b:s2+s3], $0x80, v3, vm0, $0xb8;
	[tilespmem:$0x4100] =	vst v63  }
0x3f: {  	_ =	swait.ge [sflag:s20], $0x2000  }
0x40: {  	[sflag:s20] =	ssyncset.done $0x0  }
0x41: {  	[sflag:s20] =	ssyncadd.s32 $0xFFFFE000  }
0x42: {  	_ =	swait.ge [sflag:s21], $0x2000  }
0x43: {  	[sflag:s21] =	ssyncset.done $0x0  }
0x44: {  	[sflag:s21] =	ssyncadd.s32 $0xFFFFE000  }
0x45: {  	[hbm4b:s7+s3] =	stream.linear.scatter [tilespmem:s12], [sflag:$0x3], $0x2000, $0x38;
	[tilespmem:$0x4100] =	vst v63  }
0x46: {  	_ =	swait.ge [sflag:s10], $0x2000  }
0x47: {  	p0 =	sne.s32 s9, $0x1;
	[sflag:s10] =	ssyncset.done $0x0  }
.Ltmp0:
0x48: {  	[sflag:s10] =	ssyncadd.s32 $0xFFFFE000;
	(pc) =	sbr.rel @p0 .LBB2_1-.Ltmp0, $4  }
0x49: {  	[hbm4b:s8+s3] =	stream.linear.scatter [tilespmem:s16], [sflag:$0x3], $0x2000, $0x38;
	[tilespmem:$0x4100] =	vst v63  }
0x4a: {  	_ =	swait.ge [sflag:s10], $0x2000  }
0x4b: {  	[sflag:s10] =	ssyncset.done $0x0  }
0x4c: {  	s9 =	sadd.s32 $0xFFFFFFFF, s9;
	[sflag:s10] =	ssyncadd.s32 $0xFFFFE000  }
0x4d: {  	_ =	sfence.sel $0x180000  }
0x4e: {  	[bflag:$0x0] =	sbarrier.arrive $0xFFFF  }
0x4f: {  	p0 =	sne.s32 s1, $0x0;
	_ =	strace $0x90000047  }
0x50: {  	s0 =	sadd.s32 @!p0 $0x100000, s0;
	[bflag:$0x2] =	sbarrier.arrive $0xFFFF  }
0x51: {  	[sflag:s0] =	ssyncadd.tile.s32 @!p0 $0x1;
	_ =	shalt  }
.Lfunc_end2:
_tile_overlayer_lowered:
.L_overlay_start_2:
0x52: {  	(tag) =	ssettag $0x2  }
0x53: {  	s0 =	rddreg [dreg:$0x0];
	s2 =	stileid.u32  }
0x54: {  	s1 =	rddreg [dreg:$0x1];
	p0 =	sne.s32 s2, $0x0  }
0x55: {  	s3 =	rddreg [dreg:$0x2];
	[bflag:$0x3] =	sbarrier.arrive $0xFFFF;
	s2 =	simm.s32 @!p0 $0x1C03  }
0x56: {  	[timem:s3], [sflag:s2] =	dma.local @!p0 [hbm:s0], s1  }
0x57: {  	s0 =	simm.s32 @!p0 $0x3  }
0x58: {  	_ =	swait.ge @!p0 [sflag:s0], s1  }
0x59: {  	s1 =	ssub.s32 @!p0 $0x0, s1;
	[sflag:s0] =	ssyncset.done @!p0 $0x0  }
0x5a: {  	[sflag:s0] =	ssyncadd.s32 @!p0 s1  }
0x5b: {  	[bflag:$0x3] =	sbarrier.arrive $0xFFFF  }
0x5c: {  	_ =	shalt  }

</sc_bundles>
